<compile_context>
chip_gen: v7x
topology: tpu7x:2x2x1
jax: 0.10.2.dev20260603
libtpu: 0.0.44.dev20260713+nightly
codegen_flags: <defaults>
</compile_context>

<pallas_src>
import functools

import jax
import jax.numpy as jnp
from jax import lax
from jax.experimental import pallas as pl
from jax.experimental.pallas import tpu as pltpu
from jax.experimental.pallas import tpu_sc as plsc

_LANES = 16
_TILES = 16
_NUM_SEGMENTS = 512
_BLK = _NUM_SEGMENTS // _TILES
_SUBACCS = 8
_STRIDE = _NUM_SEGMENTS + 3
_UNROLL = 2


@functools.lru_cache(maxsize=None)
def _make_seg_sum(nvec_total: int):
    base_vecs = nvec_total // _TILES
    extra = nvec_total % _TILES
    max_vecs = base_vecs + (1 if extra else 0)
    acc8_words = -(-_STRIDE * _SUBACCS // _LANES) * _LANES
    mesh = plsc.VectorSubcoreMesh(
        core_axis_name="c", subcore_axis_name="s", num_cores=1
    )

    @functools.partial(
        pl.kernel,
        out_type=jax.ShapeDtypeStruct((_NUM_SEGMENTS,), jnp.float32),
        mesh=mesh,
        compiler_params=pltpu.CompilerParams(
            needs_layout_passes=False,
            disable_bounds_checks=True,
            disable_semaphore_checks=True,
            use_tc_tiling_on_sc=False,
        ),
        scratch_types=[
            pltpu.VMEM((max_vecs * _LANES,), jnp.float32),
            pltpu.VMEM((max_vecs * _LANES,), jnp.int32),
            pltpu.VMEM((acc8_words,), jnp.float32),
            pltpu.VMEM((_NUM_SEGMENTS,), jnp.float32),
            pltpu.VMEM((_TILES, _BLK), jnp.float32),
            pltpu.VMEM((_BLK,), jnp.float32),
            pltpu.VMEM_SHARED((_TILES, _NUM_SEGMENTS), jnp.float32),
            pltpu.SemaphoreType.DMA,
            pltpu.SemaphoreType.DMA,
        ],
    )
    def seg_sum(val_hbm, idx_hbm, out_hbm, val_v, idx_v, acc8_v, acc_v,
                colbuf_v, res_v, shared, sem0, sem1):
        wid = lax.axis_index("s")
        base = (wid * base_vecs + jnp.minimum(wid, extra)) * _LANES

        cnt_max = max_vecs * _LANES
        half = (max_vecs // 2) * _LANES
        win = jnp.minimum(base, nvec_total * _LANES - cnt_max)
        delta = base - win
        cp0 = pltpu.async_copy(val_hbm.at[pl.ds(win, half)],
                               val_v.at[pl.ds(0, half)], sem0)
        cp1 = pltpu.async_copy(idx_hbm.at[pl.ds(win, half)],
                               idx_v.at[pl.ds(0, half)], sem0)
        rest = cnt_max - half
        cp2 = pltpu.async_copy(val_hbm.at[pl.ds(win + half, rest)],
                               val_v.at[pl.ds(half, rest)], sem1)
        cp3 = pltpu.async_copy(idx_hbm.at[pl.ds(win + half, rest)],
                               idx_v.at[pl.ds(half, rest)], sem1)

        zeros16 = jnp.zeros((_LANES,), jnp.float32)
        iota16 = lax.iota(jnp.int32, _LANES)
        lane_off = (iota16 & (_SUBACCS - 1)) * _STRIDE

        @plsc.parallel_loop(0, acc8_words, step=_LANES, unroll=4)
        def _zero(j):
            acc8_v[pl.ds(pl.multiple_of(j, _LANES), _LANES)] = zeros16

        def scat(off):
            off = pl.multiple_of(off, _LANES)
            v = val_v[pl.ds(off, _LANES)]
            b = idx_v[pl.ds(off, _LANES)]
            plsc.addupdate_scatter(acc8_v, [b + lane_off], v)

        cp0.wait()
        cp1.wait()

        @plsc.parallel_loop(0, half - _LANES, step=_LANES, unroll=_UNROLL)
        def _scatter_lo(i):
            scat(i + delta)

        cp2.wait()
        cp3.wait()

        @plsc.parallel_loop(half - _LANES, base_vecs * _LANES, step=_LANES,
                            unroll=_UNROLL)
        def _scatter_hi(i):
            scat(i + delta)

        if extra:
            pl.when(wid < extra)(
                functools.partial(scat, base_vecs * _LANES + delta))

        @plsc.parallel_loop(0, _NUM_SEGMENTS, step=_LANES, unroll=1)
        def _fold(j):
            seg = pl.multiple_of(j, _LANES) + iota16
            s = plsc.load_gather(acc8_v, [seg])
            for l in range(1, _SUBACCS):
                s = s + plsc.load_gather(acc8_v, [seg + l * _STRIDE])
            acc_v[pl.ds(pl.multiple_of(j, _LANES), _LANES)] = s

        pltpu.sync_copy(acc_v, shared.at[wid])
        plsc.subcore_barrier()

        col = pl.multiple_of(wid * _BLK, _BLK)
        pltpu.sync_copy(shared.at[:, pl.ds(col, _BLK)], colbuf_v)

        lo = [colbuf_v[r, pl.ds(0, _LANES)] for r in range(_TILES)]
        hi = [colbuf_v[r, pl.ds(_LANES, _LANES)] for r in range(_TILES)]
        while len(lo) > 1:
            lo = [lo[k] + lo[k + 1] for k in range(0, len(lo), 2)]
            hi = [hi[k] + hi[k + 1] for k in range(0, len(hi), 2)]
        res_v[pl.ds(0, _LANES)] = lo[0]
        res_v[pl.ds(_LANES, _LANES)] = hi[0]
        pltpu.sync_copy(res_v, out_hbm.at[pl.ds(col, _BLK)])

    return seg_sum


def kernel(atomic_energy, batch):
    n = atomic_energy.shape[0]
    src = jnp.squeeze(atomic_energy, axis=1)
    rem = n % _LANES
    if rem:
        pad = _LANES - rem
        src = jnp.pad(src, (0, pad))
        batch = jnp.pad(batch, (0, pad), constant_values=_NUM_SEGMENTS - 1)
        n += pad
    return _make_seg_sum(n // _LANES)(src, batch)

# --- scband reference (transcript-rebuilt; emitter-appended) ---
"""Pipeline reference for scband-atom-reduce-19078244729273 (READ-ONLY COPY).

The authoritative reference and input builder live on the scoring server;
editing this copy changes nothing except your own understanding.
"""

import jax, jax.numpy as jnp
import numpy as np

N = 100000
NUM_GRAPHS = 512
CONSTANT = 1.0


def setup_inputs(seed: int = 0) -> dict:
    key = jax.random.key(seed)
    k1, k2 = jax.random.split(key)
    atomic_energy = jax.random.normal(k1, (N, 1), dtype=jnp.float32)
    batch = jnp.sort(jax.random.randint(k2, (N,), 0, NUM_GRAPHS, dtype=jnp.int32))
    return {"atomic_energy": atomic_energy, "batch": batch}


def reference(atomic_energy, batch):
    # src = data[key_input].squeeze(1)
    src = jnp.squeeze(atomic_energy, axis=1)
    # size = int(batch.max()) + 1
    num_segments = NUM_GRAPHS
    # scatter_reduce_(0, batch, src, reduce='sum') on zeros -> segment_sum
    output = jax.ops.segment_sum(src, batch, num_segments=num_segments)
    return output * CONSTANT

if __name__ == "__main__":
    import jax
    _d = setup_inputs()
    print(jax.jit(kernel)(*tuple(_d.values())))

</pallas_src>

<mosaic_0001>
#map = affine_map<(d0, d1) -> (0)>
module attributes {stable_mosaic.version = 14 : i64} {
  func.func @seg_sum(%arg0: i32, %arg1: i32, %arg2: memref<100000xf32, #tpu.memory_space<hbm>>, %arg3: memref<100000xi32, #tpu.memory_space<hbm>>, %arg4: memref<512xf32, #tpu.memory_space<hbm>>, %arg5: memref<6256xf32, #tpu.memory_space<vmem>>, %arg6: memref<6256xi32, #tpu.memory_space<vmem>>, %arg7: memref<4128xf32, #tpu.memory_space<vmem>>, %arg8: memref<512xf32, #tpu.memory_space<vmem>>, %arg9: memref<16x32xf32, #tpu.memory_space<vmem>>, %arg10: memref<32xf32, #tpu.memory_space<vmem>>, %arg11: memref<16x512xf32, #tpu.memory_space<vmem_shared>>, %arg12: memref<!tpu.dma_semaphore, #tpu.memory_space<semaphore_mem>>, %arg13: memref<!tpu.dma_semaphore, #tpu.memory_space<semaphore_mem>>) attributes {dimension_semantics = [#tpu.dimension_semantics<core_parallel>, #tpu.dimension_semantics<subcore_parallel>], iteration_bounds = array<i64: 1, 16>, scalar_prefetch = 0 : i64, scratch_operands = 9 : i64, tpu.core_type = #tpu.core_type<sc_vector_subcore>, window_params = [{transform_indices = #map}, {transform_indices = #map}, {transform_indices = #map}]} {
    %mul3A = arith.constant 390 : i32
    %mul3A_0 = arith.muli %arg1, %mul3A : i32
    %min3A = arith.constant 10 : i32
    %min3A_1 = arith.minsi %arg1, %min3A : i32
    %add3A = arith.addi %mul3A_0, %min3A_1 : i32
    %mul3A_2 = arith.constant 16 : i32
    %mul3A_3 = arith.muli %add3A, %mul3A_2 : i32
    %min3A_4 = arith.constant 93744 : i32
    %min3A_5 = arith.minsi %mul3A_3, %min3A_4 : i32
    %sub3A = arith.subi %mul3A_3, %min3A_5 : i32
    %dma_start3A = arith.constant 0 : i32
    %dma_start3A_6 = tpu.memref_slice %arg5[%dma_start3A] : memref<6256xf32, #tpu.memory_space<vmem>> -> memref<3120xf32, #tpu.memory_space<vmem>>
    %dma_start3A_7 = tpu.memref_slice %arg2[%min3A_5] : memref<100000xf32, #tpu.memory_space<hbm>> -> memref<3120xf32, #tpu.memory_space<hbm>>
    %dma_start3A_8 = arith.constant 0 : i32
    %dma_start3A_9 = tpu.memref_slice %arg5[%dma_start3A_8] : memref<6256xf32, #tpu.memory_space<vmem>> -> memref<3120xf32, #tpu.memory_space<vmem>>
    %dma_start3A_10 = tpu.memref_slice %arg2[%min3A_5] : memref<100000xf32, #tpu.memory_space<hbm>> -> memref<3120xf32, #tpu.memory_space<hbm>>
    tpu.enqueue_dma source(%dma_start3A_10 : memref<3120xf32, #tpu.memory_space<hbm>>) target(%dma_start3A_9 : memref<3120xf32, #tpu.memory_space<vmem>>) target_semaphore(%arg12 : memref<!tpu.dma_semaphore, #tpu.memory_space<semaphore_mem>>)
    %dma_start3A_11 = arith.constant 0 : i32
    %dma_start3A_12 = tpu.memref_slice %arg6[%dma_start3A_11] : memref<6256xi32, #tpu.memory_space<vmem>> -> memref<3120xi32, #tpu.memory_space<vmem>>
    %dma_start3A_13 = tpu.memref_slice %arg3[%min3A_5] : memref<100000xi32, #tpu.memory_space<hbm>> -> memref<3120xi32, #tpu.memory_space<hbm>>
    %dma_start3A_14 = arith.constant 0 : i32
    %dma_start3A_15 = tpu.memref_slice %arg6[%dma_start3A_14] : memref<6256xi32, #tpu.memory_space<vmem>> -> memref<3120xi32, #tpu.memory_space<vmem>>
    %dma_start3A_16 = tpu.memref_slice %arg3[%min3A_5] : memref<100000xi32, #tpu.memory_space<hbm>> -> memref<3120xi32, #tpu.memory_space<hbm>>
    tpu.enqueue_dma source(%dma_start3A_16 : memref<3120xi32, #tpu.memory_space<hbm>>) target(%dma_start3A_15 : memref<3120xi32, #tpu.memory_space<vmem>>) target_semaphore(%arg12 : memref<!tpu.dma_semaphore, #tpu.memory_space<semaphore_mem>>)
    %add3A_17 = arith.constant 3120 : i32
    %add3A_18 = arith.addi %min3A_5, %add3A_17 : i32
    %dma_start3A_19 = arith.constant 3120 : i32
    %dma_start3A_20 = tpu.memref_slice %arg5[%dma_start3A_19] : memref<6256xf32, #tpu.memory_space<vmem>> -> memref<3136xf32, #tpu.memory_space<vmem>>
    %dma_start3A_21 = tpu.memref_slice %arg2[%add3A_18] : memref<100000xf32, #tpu.memory_space<hbm>> -> memref<3136xf32, #tpu.memory_space<hbm>>
    %dma_start3A_22 = arith.constant 3120 : i32
    %dma_start3A_23 = tpu.memref_slice %arg5[%dma_start3A_22] : memref<6256xf32, #tpu.memory_space<vmem>> -> memref<3136xf32, #tpu.memory_space<vmem>>
    %dma_start3A_24 = tpu.memref_slice %arg2[%add3A_18] : memref<100000xf32, #tpu.memory_space<hbm>> -> memref<3136xf32, #tpu.memory_space<hbm>>
    tpu.enqueue_dma source(%dma_start3A_24 : memref<3136xf32, #tpu.memory_space<hbm>>) target(%dma_start3A_23 : memref<3136xf32, #tpu.memory_space<vmem>>) target_semaphore(%arg13 : memref<!tpu.dma_semaphore, #tpu.memory_space<semaphore_mem>>)
    %add3A_25 = arith.constant 3120 : i32
    %add3A_26 = arith.addi %min3A_5, %add3A_25 : i32
    %dma_start3A_27 = arith.constant 3120 : i32
    %dma_start3A_28 = tpu.memref_slice %arg6[%dma_start3A_27] : memref<6256xi32, #tpu.memory_space<vmem>> -> memref<3136xi32, #tpu.memory_space<vmem>>
    %dma_start3A_29 = tpu.memref_slice %arg3[%add3A_26] : memref<100000xi32, #tpu.memory_space<hbm>> -> memref<3136xi32, #tpu.memory_space<hbm>>
    %dma_start3A_30 = arith.constant 3120 : i32
    %dma_start3A_31 = tpu.memref_slice %arg6[%dma_start3A_30] : memref<6256xi32, #tpu.memory_space<vmem>> -> memref<3136xi32, #tpu.memory_space<vmem>>
    %dma_start3A_32 = tpu.memref_slice %arg3[%add3A_26] : memref<100000xi32, #tpu.memory_space<hbm>> -> memref<3136xi32, #tpu.memory_space<hbm>>
    tpu.enqueue_dma source(%dma_start3A_32 : memref<3136xi32, #tpu.memory_space<hbm>>) target(%dma_start3A_31 : memref<3136xi32, #tpu.memory_space<vmem>>) target_semaphore(%arg13 : memref<!tpu.dma_semaphore, #tpu.memory_space<semaphore_mem>>)
    %broadcast_in_dim3A = arith.constant 0.000000e+00 : f32
    %broadcast_in_dim3A_33 = vector.broadcast %broadcast_in_dim3A : f32 to vector<16xf32>
    %iota3A = tpu.iota {dimensions = array<i32: 0>} : vector<16xi32>
    %and3A = arith.constant 7 : i32
    %and3A_34 = vector.broadcast %and3A : i32 to vector<16xi32>
    %and3A_35 = arith.andi %iota3A, %and3A_34 : vector<16xi32>
    %mul3A_36 = arith.constant 515 : i32
    %mul3A_37 = vector.broadcast %mul3A_36 : i32 to vector<16xi32>
    %mul3A_38 = arith.muli %and3A_35, %mul3A_37 : vector<16xi32>
    %parallel_loop3A = arith.constant 0 : i32
    %parallel_loop3A_39 = arith.constant 4128 : i32
    %parallel_loop3A_40 = arith.constant 16 : i32
    scf.for %parallel_loop3A_239 = %parallel_loop3A to %parallel_loop3A_39 step %parallel_loop3A_40  : i32 {
      %parallel_loop3A_240 = tpu.assume_multiple %parallel_loop3A_239, 16 : i32
      %parallel_loop3A_241 = arith.index_cast %parallel_loop3A_240 : i32 to index
      %parallel_loop3A_242 = tpu.vector_load %arg7[%parallel_loop3A_241] {strides = array<i32>} : memref<4128xf32, #tpu.memory_space<vmem>>, vector<16xf32>,
      tpu.vector_store %arg7[%parallel_loop3A_241], %broadcast_in_dim3A_33 {strides = array<i32>} : memref<4128xf32, #tpu.memory_space<vmem>>, vector<16xf32>,
    } {sc.loop_unroll_factor = 4 : i64, sc.parallel_access}
    %dma_wait3A = arith.constant 0 : i32
    %dma_wait3A_41 = tpu.memref_slice %arg5[%dma_wait3A] : memref<6256xf32, #tpu.memory_space<vmem>> -> memref<3120xf32, #tpu.memory_space<vmem>>
    %dma_wait3A_42 = tpu.memref_slice %arg2[%min3A_5] : memref<100000xf32, #tpu.memory_space<hbm>> -> memref<3120xf32, #tpu.memory_space<hbm>>
    %dma_wait3A_43 = arith.constant 0 : i32
    %dma_wait3A_44 = tpu.memref_slice %arg5[%dma_wait3A_43] : memref<6256xf32, #tpu.memory_space<vmem>> -> memref<3120xf32, #tpu.memory_space<vmem>>
    %dma_wait3A_45 = tpu.memref_slice %arg2[%min3A_5] : memref<100000xf32, #tpu.memory_space<hbm>> -> memref<3120xf32, #tpu.memory_space<hbm>>
    tpu.wait_dma2 semaphore(%arg12 : memref<!tpu.dma_semaphore, #tpu.memory_space<semaphore_mem>>) src(%dma_wait3A_45 : memref<3120xf32, #tpu.memory_space<hbm>>) dst(%dma_wait3A_44 : memref<3120xf32, #tpu.memory_space<vmem>>)
    %dma_wait3A_46 = arith.constant 0 : i32
    %dma_wait3A_47 = tpu.memref_slice %arg6[%dma_wait3A_46] : memref<6256xi32, #tpu.memory_space<vmem>> -> memref<3120xi32, #tpu.memory_space<vmem>>
    %dma_wait3A_48 = tpu.memref_slice %arg3[%min3A_5] : memref<100000xi32, #tpu.memory_space<hbm>> -> memref<3120xi32, #tpu.memory_space<hbm>>
    %dma_wait3A_49 = arith.constant 0 : i32
    %dma_wait3A_50 = tpu.memref_slice %arg6[%dma_wait3A_49] : memref<6256xi32, #tpu.memory_space<vmem>> -> memref<3120xi32, #tpu.memory_space<vmem>>
    %dma_wait3A_51 = tpu.memref_slice %arg3[%min3A_5] : memref<100000xi32, #tpu.memory_space<hbm>> -> memref<3120xi32, #tpu.memory_space<hbm>>
    tpu.wait_dma2 semaphore(%arg12 : memref<!tpu.dma_semaphore, #tpu.memory_space<semaphore_mem>>) src(%dma_wait3A_51 : memref<3120xi32, #tpu.memory_space<hbm>>) dst(%dma_wait3A_50 : memref<3120xi32, #tpu.memory_space<vmem>>)
    %parallel_loop3A_52 = arith.constant 0 : i32
    %parallel_loop3A_53 = arith.constant 3104 : i32
    %parallel_loop3A_54 = arith.constant 16 : i32
    scf.for %parallel_loop3A_239 = %parallel_loop3A_52 to %parallel_loop3A_53 step %parallel_loop3A_54  : i32 {
      %parallel_loop3A_240 = arith.addi %parallel_loop3A_239, %sub3A : i32
      %parallel_loop3A_241 = tpu.assume_multiple %parallel_loop3A_240, 16 : i32
      %parallel_loop3A_242 = arith.index_cast %parallel_loop3A_241 : i32 to index
      %parallel_loop3A_243 = tpu.vector_load %arg5[%parallel_loop3A_242] {strides = array<i32>} : memref<6256xf32, #tpu.memory_space<vmem>>, vector<16xf32>,
      %parallel_loop3A_244 = arith.index_cast %parallel_loop3A_241 : i32 to index
      %parallel_loop3A_245 = tpu.vector_load %arg6[%parallel_loop3A_244] {strides = array<i32>} : memref<6256xi32, #tpu.memory_space<vmem>>, vector<16xi32>,
      %parallel_loop3A_246 = arith.addi %parallel_loop3A_245, %mul3A_38 : vector<16xi32>
      tpu.vector_store_idx %arg7[%parallel_loop3A_246], %parallel_loop3A_243 {add = true} : memref<4128xf32, #tpu.memory_space<vmem>>[vector<16xi32>], vector<16xf32>,
    } {sc.loop_unroll_factor = 2 : i64, sc.parallel_access}
    %dma_wait3A_55 = arith.constant 3120 : i32
    %dma_wait3A_56 = tpu.memref_slice %arg5[%dma_wait3A_55] : memref<6256xf32, #tpu.memory_space<vmem>> -> memref<3136xf32, #tpu.memory_space<vmem>>
    %dma_wait3A_57 = tpu.memref_slice %arg2[%add3A_18] : memref<100000xf32, #tpu.memory_space<hbm>> -> memref<3136xf32, #tpu.memory_space<hbm>>
    %dma_wait3A_58 = arith.constant 3120 : i32
    %dma_wait3A_59 = tpu.memref_slice %arg5[%dma_wait3A_58] : memref<6256xf32, #tpu.memory_space<vmem>> -> memref<3136xf32, #tpu.memory_space<vmem>>
    %dma_wait3A_60 = tpu.memref_slice %arg2[%add3A_18] : memref<100000xf32, #tpu.memory_space<hbm>> -> memref<3136xf32, #tpu.memory_space<hbm>>
    tpu.wait_dma2 semaphore(%arg13 : memref<!tpu.dma_semaphore, #tpu.memory_space<semaphore_mem>>) src(%dma_wait3A_60 : memref<3136xf32, #tpu.memory_space<hbm>>) dst(%dma_wait3A_59 : memref<3136xf32, #tpu.memory_space<vmem>>)
    %dma_wait3A_61 = arith.constant 3120 : i32
    %dma_wait3A_62 = tpu.memref_slice %arg6[%dma_wait3A_61] : memref<6256xi32, #tpu.memory_space<vmem>> -> memref<3136xi32, #tpu.memory_space<vmem>>
    %dma_wait3A_63 = tpu.memref_slice %arg3[%add3A_26] : memref<100000xi32, #tpu.memory_space<hbm>> -> memref<3136xi32, #tpu.memory_space<hbm>>
    %dma_wait3A_64 = arith.constant 3120 : i32
    %dma_wait3A_65 = tpu.memref_slice %arg6[%dma_wait3A_64] : memref<6256xi32, #tpu.memory_space<vmem>> -> memref<3136xi32, #tpu.memory_space<vmem>>
    %dma_wait3A_66 = tpu.memref_slice %arg3[%add3A_26] : memref<100000xi32, #tpu.memory_space<hbm>> -> memref<3136xi32, #tpu.memory_space<hbm>>
    tpu.wait_dma2 semaphore(%arg13 : memref<!tpu.dma_semaphore, #tpu.memory_space<semaphore_mem>>) src(%dma_wait3A_66 : memref<3136xi32, #tpu.memory_space<hbm>>) dst(%dma_wait3A_65 : memref<3136xi32, #tpu.memory_space<vmem>>)
    %parallel_loop3A_67 = arith.constant 3104 : i32
    %parallel_loop3A_68 = arith.constant 6240 : i32
    %parallel_loop3A_69 = arith.constant 16 : i32
    scf.for %parallel_loop3A_239 = %parallel_loop3A_67 to %parallel_loop3A_68 step %parallel_loop3A_69  : i32 {
      %parallel_loop3A_240 = arith.addi %parallel_loop3A_239, %sub3A : i32
      %parallel_loop3A_241 = tpu.assume_multiple %parallel_loop3A_240, 16 : i32
      %parallel_loop3A_242 = arith.index_cast %parallel_loop3A_241 : i32 to index
      %parallel_loop3A_243 = tpu.vector_load %arg5[%parallel_loop3A_242] {strides = array<i32>} : memref<6256xf32, #tpu.memory_space<vmem>>, vector<16xf32>,
      %parallel_loop3A_244 = arith.index_cast %parallel_loop3A_241 : i32 to index
      %parallel_loop3A_245 = tpu.vector_load %arg6[%parallel_loop3A_244] {strides = array<i32>} : memref<6256xi32, #tpu.memory_space<vmem>>, vector<16xi32>,
      %parallel_loop3A_246 = arith.addi %parallel_loop3A_245, %mul3A_38 : vector<16xi32>
      tpu.vector_store_idx %arg7[%parallel_loop3A_246], %parallel_loop3A_243 {add = true} : memref<4128xf32, #tpu.memory_space<vmem>>[vector<16xi32>], vector<16xf32>,
    } {sc.loop_unroll_factor = 2 : i64, sc.parallel_access}
    %lt3A = arith.constant 10 : i32
    %lt3A_70 = arith.cmpi slt, %arg1, %lt3A : i32
    %add3A_71 = arith.constant 6240 : i32
    %add3A_72 = arith.addi %add3A_71, %sub3A : i32
    %convert_element_type3A = arith.extui %lt3A_70 : i1 to i32
    %cond3A = arith.constant 0 : i32
    %cond3A_73 = arith.cmpi ne, %convert_element_type3A, %cond3A : i32
    scf.if %cond3A_73 {
      %multiple_of3A_239 = tpu.assume_multiple %add3A_72, 16 : i32
      %get3A_240 = arith.index_cast %multiple_of3A_239 : i32 to index
      %get3A_241 = tpu.vector_load %arg5[%get3A_240] {strides = array<i32>} : memref<6256xf32, #tpu.memory_space<vmem>>, vector<16xf32>,
      %get3A_242 = arith.index_cast %multiple_of3A_239 : i32 to index
      %get3A_243 = tpu.vector_load %arg6[%get3A_242] {strides = array<i32>} : memref<6256xi32, #tpu.memory_space<vmem>>, vector<16xi32>,
      %add3A_244 = arith.addi %get3A_243, %mul3A_38 : vector<16xi32>
      tpu.vector_store_idx %arg7[%add3A_244], %get3A_241 {add = true} : memref<4128xf32, #tpu.memory_space<vmem>>[vector<16xi32>], vector<16xf32>,
    } else {
    }
    %parallel_loop3A_74 = arith.constant 0 : i32
    %parallel_loop3A_75 = arith.constant 512 : i32
    %parallel_loop3A_76 = arith.constant 16 : i32
    scf.for %parallel_loop3A_239 = %parallel_loop3A_74 to %parallel_loop3A_75 step %parallel_loop3A_76  : i32 {
      %parallel_loop3A_240 = tpu.assume_multiple %parallel_loop3A_239, 16 : i32
      %parallel_loop3A_241 = vector.broadcast %parallel_loop3A_240 : i32 to vector<16xi32>
      %parallel_loop3A_242 = arith.addi %parallel_loop3A_241, %iota3A : vector<16xi32>
      %parallel_loop3A_243 = tpu.vector_load_idx %arg7[%parallel_loop3A_242] : memref<4128xf32, #tpu.memory_space<vmem>>[vector<16xi32>], vector<16xf32>,
      %parallel_loop3A_244 = arith.constant 515 : i32
      %parallel_loop3A_245 = vector.broadcast %parallel_loop3A_244 : i32 to vector<16xi32>
      %parallel_loop3A_246 = arith.addi %parallel_loop3A_242, %parallel_loop3A_245 : vector<16xi32>
      %parallel_loop3A_247 = tpu.vector_load_idx %arg7[%parallel_loop3A_246] : memref<4128xf32, #tpu.memory_space<vmem>>[vector<16xi32>], vector<16xf32>,
      %parallel_loop3A_248 = arith.addf %parallel_loop3A_243, %parallel_loop3A_247 : vector<16xf32>
      %parallel_loop3A_249 = arith.constant 1030 : i32
      %parallel_loop3A_250 = vector.broadcast %parallel_loop3A_249 : i32 to vector<16xi32>
      %parallel_loop3A_251 = arith.addi %parallel_loop3A_242, %parallel_loop3A_250 : vector<16xi32>
      %parallel_loop3A_252 = tpu.vector_load_idx %arg7[%parallel_loop3A_251] : memref<4128xf32, #tpu.memory_space<vmem>>[vector<16xi32>], vector<16xf32>,
      %parallel_loop3A_253 = arith.addf %parallel_loop3A_248, %parallel_loop3A_252 : vector<16xf32>
      %parallel_loop3A_254 = arith.constant 1545 : i32
      %parallel_loop3A_255 = vector.broadcast %parallel_loop3A_254 : i32 to vector<16xi32>
      %parallel_loop3A_256 = arith.addi %parallel_loop3A_242, %parallel_loop3A_255 : vector<16xi32>
      %parallel_loop3A_257 = tpu.vector_load_idx %arg7[%parallel_loop3A_256] : memref<4128xf32, #tpu.memory_space<vmem>>[vector<16xi32>], vector<16xf32>,
      %parallel_loop3A_258 = arith.addf %parallel_loop3A_253, %parallel_loop3A_257 : vector<16xf32>
      %parallel_loop3A_259 = arith.constant 2060 : i32
      %parallel_loop3A_260 = vector.broadcast %parallel_loop3A_259 : i32 to vector<16xi32>
      %parallel_loop3A_261 = arith.addi %parallel_loop3A_242, %parallel_loop3A_260 : vector<16xi32>
      %parallel_loop3A_262 = tpu.vector_load_idx %arg7[%parallel_loop3A_261] : memref<4128xf32, #tpu.memory_space<vmem>>[vector<16xi32>], vector<16xf32>,
      %parallel_loop3A_263 = arith.addf %parallel_loop3A_258, %parallel_loop3A_262 : vector<16xf32>
      %parallel_loop3A_264 = arith.constant 2575 : i32
      %parallel_loop3A_265 = vector.broadcast %parallel_loop3A_264 : i32 to vector<16xi32>
      %parallel_loop3A_266 = arith.addi %parallel_loop3A_242, %parallel_loop3A_265 : vector<16xi32>
      %parallel_loop3A_267 = tpu.vector_load_idx %arg7[%parallel_loop3A_266] : memref<4128xf32, #tpu.memory_space<vmem>>[vector<16xi32>], vector<16xf32>,
      %parallel_loop3A_268 = arith.addf %parallel_loop3A_263, %parallel_loop3A_267 : vector<16xf32>
      %parallel_loop3A_269 = arith.constant 3090 : i32
      %parallel_loop3A_270 = vector.broadcast %parallel_loop3A_269 : i32 to vector<16xi32>
      %parallel_loop3A_271 = arith.addi %parallel_loop3A_242, %parallel_loop3A_270 : vector<16xi32>
      %parallel_loop3A_272 = tpu.vector_load_idx %arg7[%parallel_loop3A_271] : memref<4128xf32, #tpu.memory_space<vmem>>[vector<16xi32>], vector<16xf32>,
      %parallel_loop3A_273 = arith.addf %parallel_loop3A_268, %parallel_loop3A_272 : vector<16xf32>
      %parallel_loop3A_274 = arith.constant 3605 : i32
      %parallel_loop3A_275 = vector.broadcast %parallel_loop3A_274 : i32 to vector<16xi32>
      %parallel_loop3A_276 = arith.addi %parallel_loop3A_242, %parallel_loop3A_275 : vector<16xi32>
      %parallel_loop3A_277 = tpu.vector_load_idx %arg7[%parallel_loop3A_276] : memref<4128xf32, #tpu.memory_space<vmem>>[vector<16xi32>], vector<16xf32>,
      %parallel_loop3A_278 = arith.addf %parallel_loop3A_273, %parallel_loop3A_277 : vector<16xf32>
      %parallel_loop3A_279 = tpu.assume_multiple %parallel_loop3A_239, 16 : i32
      %parallel_loop3A_280 = arith.index_cast %parallel_loop3A_279 : i32 to index
      %parallel_loop3A_281 = tpu.vector_load %arg8[%parallel_loop3A_280] {strides = array<i32>} : memref<512xf32, #tpu.memory_space<vmem>>, vector<16xf32>,
      tpu.vector_store %arg8[%parallel_loop3A_280], %parallel_loop3A_278 {strides = array<i32>} : memref<512xf32, #tpu.memory_space<vmem>>, vector<16xf32>,
    } {sc.loop_unroll_factor = 1 : i64, sc.parallel_access}
    "tpu.region"() ({
      %run_scoped3A = tpu.sem_alloc : memref<!tpu.dma_semaphore, #tpu.memory_space<semaphore_mem>>
      %dma_start3A_239 = arith.constant 0 : i32
      %dma_start3A_240 = tpu.memref_slice %arg11[%arg1, %dma_start3A_239] : memref<16x512xf32, #tpu.memory_space<vmem_shared>> -> memref<1x512xf32, #tpu.memory_space<vmem_shared>>
      %dma_start3A_241 = tpu.memref_squeeze %dma_start3A_240 : memref<1x512xf32, #tpu.memory_space<vmem_shared>> -> memref<512xf32, #tpu.memory_space<vmem_shared>>
      %dma_start3A_242 = arith.constant 0 : i32
      %dma_start3A_243 = tpu.memref_slice %arg11[%arg1, %dma_start3A_242] : memref<16x512xf32, #tpu.memory_space<vmem_shared>> -> memref<1x512xf32, #tpu.memory_space<vmem_shared>>
      %dma_start3A_244 = tpu.memref_squeeze %dma_start3A_243 : memref<1x512xf32, #tpu.memory_space<vmem_shared>> -> memref<512xf32, #tpu.memory_space<vmem_shared>>
      tpu.enqueue_dma source(%arg8 : memref<512xf32, #tpu.memory_space<vmem>>) target(%dma_start3A_244 : memref<512xf32, #tpu.memory_space<vmem_shared>>) target_semaphore(%run_scoped3A : memref<!tpu.dma_semaphore, #tpu.memory_space<semaphore_mem>>)
      %dma_wait3A_245 = arith.constant 0 : i32
      %dma_wait3A_246 = tpu.memref_slice %arg11[%arg1, %dma_wait3A_245] : memref<16x512xf32, #tpu.memory_space<vmem_shared>> -> memref<1x512xf32, #tpu.memory_space<vmem_shared>>
      %dma_wait3A_247 = tpu.memref_squeeze %dma_wait3A_246 : memref<1x512xf32, #tpu.memory_space<vmem_shared>> -> memref<512xf32, #tpu.memory_space<vmem_shared>>
      %dma_wait3A_248 = arith.constant 0 : i32
      %dma_wait3A_249 = tpu.memref_slice %arg11[%arg1, %dma_wait3A_248] : memref<16x512xf32, #tpu.memory_space<vmem_shared>> -> memref<1x512xf32, #tpu.memory_space<vmem_shared>>
      %dma_wait3A_250 = tpu.memref_squeeze %dma_wait3A_249 : memref<1x512xf32, #tpu.memory_space<vmem_shared>> -> memref<512xf32, #tpu.memory_space<vmem_shared>>
      tpu.wait_dma2 semaphore(%run_scoped3A : memref<!tpu.dma_semaphore, #tpu.memory_space<semaphore_mem>>) src(%arg8 : memref<512xf32, #tpu.memory_space<vmem>>) dst(%dma_wait3A_250 : memref<512xf32, #tpu.memory_space<vmem_shared>>)
      tpu.yield
    }) : () -> ()
    %barrier3A = arith.constant 0 : index
    tpu.barrier barrier_id(%barrier3A)
    %mul3A_77 = arith.constant 32 : i32
    %mul3A_78 = arith.muli %arg1, %mul3A_77 : i32
    %multiple_of3A = tpu.assume_multiple %mul3A_78, 32 : i32
    "tpu.region"() ({
      %run_scoped3A = tpu.sem_alloc : memref<!tpu.dma_semaphore, #tpu.memory_space<semaphore_mem>>
      %dma_start3A_239 = arith.constant 0 : i32
      %dma_start3A_240 = tpu.memref_slice %arg11[%dma_start3A_239, %multiple_of3A] : memref<16x512xf32, #tpu.memory_space<vmem_shared>> -> memref<16x32xf32, #tpu.memory_space<vmem_shared>>
      %dma_start3A_241 = arith.constant 0 : i32
      %dma_start3A_242 = tpu.memref_slice %arg11[%dma_start3A_241, %multiple_of3A] : memref<16x512xf32, #tpu.memory_space<vmem_shared>> -> memref<16x32xf32, #tpu.memory_space<vmem_shared>>
      tpu.enqueue_dma source(%dma_start3A_242 : memref<16x32xf32, #tpu.memory_space<vmem_shared>>) target(%arg9 : memref<16x32xf32, #tpu.memory_space<vmem>>) target_semaphore(%run_scoped3A : memref<!tpu.dma_semaphore, #tpu.memory_space<semaphore_mem>>)
      %dma_wait3A_243 = arith.constant 0 : i32
      %dma_wait3A_244 = tpu.memref_slice %arg11[%dma_wait3A_243, %multiple_of3A] : memref<16x512xf32, #tpu.memory_space<vmem_shared>> -> memref<16x32xf32, #tpu.memory_space<vmem_shared>>
      %dma_wait3A_245 = arith.constant 0 : i32
      %dma_wait3A_246 = tpu.memref_slice %arg11[%dma_wait3A_245, %multiple_of3A] : memref<16x512xf32, #tpu.memory_space<vmem_shared>> -> memref<16x32xf32, #tpu.memory_space<vmem_shared>>
      tpu.wait_dma2 semaphore(%run_scoped3A : memref<!tpu.dma_semaphore, #tpu.memory_space<semaphore_mem>>) src(%dma_wait3A_246 : memref<16x32xf32, #tpu.memory_space<vmem_shared>>) dst(%arg9 : memref<16x32xf32, #tpu.memory_space<vmem>>)
      tpu.yield
    }) : () -> ()
    %get3A = arith.constant 0 : i32
    %get3A_79 = arith.index_cast %get3A : i32 to index
    %get3A_80 = arith.constant 0 : index
    %get3A_81 = tpu.vector_load %arg9[%get3A_79, %get3A_80] {strides = array<i32>} : memref<16x32xf32, #tpu.memory_space<vmem>>, vector<16xf32>,
    %get3A_82 = arith.constant 1 : i32
    %get3A_83 = arith.index_cast %get3A_82 : i32 to index
    %get3A_84 = arith.constant 0 : index
    %get3A_85 = tpu.vector_load %arg9[%get3A_83, %get3A_84] {strides = array<i32>} : memref<16x32xf32, #tpu.memory_space<vmem>>, vector<16xf32>,
    %get3A_86 = arith.constant 2 : i32
    %get3A_87 = arith.index_cast %get3A_86 : i32 to index
    %get3A_88 = arith.constant 0 : index
    %get3A_89 = tpu.vector_load %arg9[%get3A_87, %get3A_88] {strides = array<i32>} : memref<16x32xf32, #tpu.memory_space<vmem>>, vector<16xf32>,
    %get3A_90 = arith.constant 3 : i32
    %get3A_91 = arith.index_cast %get3A_90 : i32 to index
    %get3A_92 = arith.constant 0 : index
    %get3A_93 = tpu.vector_load %arg9[%get3A_91, %get3A_92] {strides = array<i32>} : memref<16x32xf32, #tpu.memory_space<vmem>>, vector<16xf32>,
    %get3A_94 = arith.constant 4 : i32
    %get3A_95 = arith.index_cast %get3A_94 : i32 to index
    %get3A_96 = arith.constant 0 : index
    %get3A_97 = tpu.vector_load %arg9[%get3A_95, %get3A_96] {strides = array<i32>} : memref<16x32xf32, #tpu.memory_space<vmem>>, vector<16xf32>,
    %get3A_98 = arith.constant 5 : i32
    %get3A_99 = arith.index_cast %get3A_98 : i32 to index
    %get3A_100 = arith.constant 0 : index
    %get3A_101 = tpu.vector_load %arg9[%get3A_99, %get3A_100] {strides = array<i32>} : memref<16x32xf32, #tpu.memory_space<vmem>>, vector<16xf32>,
    %get3A_102 = arith.constant 6 : i32
    %get3A_103 = arith.index_cast %get3A_102 : i32 to index
    %get3A_104 = arith.constant 0 : index
    %get3A_105 = tpu.vector_load %arg9[%get3A_103, %get3A_104] {strides = array<i32>} : memref<16x32xf32, #tpu.memory_space<vmem>>, vector<16xf32>,
    %get3A_106 = arith.constant 7 : i32
    %get3A_107 = arith.index_cast %get3A_106 : i32 to index
    %get3A_108 = arith.constant 0 : index
    %get3A_109 = tpu.vector_load %arg9[%get3A_107, %get3A_108] {strides = array<i32>} : memref<16x32xf32, #tpu.memory_space<vmem>>, vector<16xf32>,
    %get3A_110 = arith.constant 8 : i32
    %get3A_111 = arith.index_cast %get3A_110 : i32 to index
    %get3A_112 = arith.constant 0 : index
    %get3A_113 = tpu.vector_load %arg9[%get3A_111, %get3A_112] {strides = array<i32>} : memref<16x32xf32, #tpu.memory_space<vmem>>, vector<16xf32>,
    %get3A_114 = arith.constant 9 : i32
    %get3A_115 = arith.index_cast %get3A_114 : i32 to index
    %get3A_116 = arith.constant 0 : index
    %get3A_117 = tpu.vector_load %arg9[%get3A_115, %get3A_116] {strides = array<i32>} : memref<16x32xf32, #tpu.memory_space<vmem>>, vector<16xf32>,
    %get3A_118 = arith.constant 10 : i32
    %get3A_119 = arith.index_cast %get3A_118 : i32 to index
    %get3A_120 = arith.constant 0 : index
    %get3A_121 = tpu.vector_load %arg9[%get3A_119, %get3A_120] {strides = array<i32>} : memref<16x32xf32, #tpu.memory_space<vmem>>, vector<16xf32>,
    %get3A_122 = arith.constant 11 : i32
    %get3A_123 = arith.index_cast %get3A_122 : i32 to index
    %get3A_124 = arith.constant 0 : index
    %get3A_125 = tpu.vector_load %arg9[%get3A_123, %get3A_124] {strides = array<i32>} : memref<16x32xf32, #tpu.memory_space<vmem>>, vector<16xf32>,
    %get3A_126 = arith.constant 12 : i32
    %get3A_127 = arith.index_cast %get3A_126 : i32 to index
    %get3A_128 = arith.constant 0 : index
    %get3A_129 = tpu.vector_load %arg9[%get3A_127, %get3A_128] {strides = array<i32>} : memref<16x32xf32, #tpu.memory_space<vmem>>, vector<16xf32>,
    %get3A_130 = arith.constant 13 : i32
    %get3A_131 = arith.index_cast %get3A_130 : i32 to index
    %get3A_132 = arith.constant 0 : index
    %get3A_133 = tpu.vector_load %arg9[%get3A_131, %get3A_132] {strides = array<i32>} : memref<16x32xf32, #tpu.memory_space<vmem>>, vector<16xf32>,
    %get3A_134 = arith.constant 14 : i32
    %get3A_135 = arith.index_cast %get3A_134 : i32 to index
    %get3A_136 = arith.constant 0 : index
    %get3A_137 = tpu.vector_load %arg9[%get3A_135, %get3A_136] {strides = array<i32>} : memref<16x32xf32, #tpu.memory_space<vmem>>, vector<16xf32>,
    %get3A_138 = arith.constant 15 : i32
    %get3A_139 = arith.index_cast %get3A_138 : i32 to index
    %get3A_140 = arith.constant 0 : index
    %get3A_141 = tpu.vector_load %arg9[%get3A_139, %get3A_140] {strides = array<i32>} : memref<16x32xf32, #tpu.memory_space<vmem>>, vector<16xf32>,
    %get3A_142 = arith.constant 0 : i32
    %get3A_143 = arith.index_cast %get3A_142 : i32 to index
    %get3A_144 = arith.constant 16 : index
    %get3A_145 = tpu.vector_load %arg9[%get3A_143, %get3A_144] {strides = array<i32>} : memref<16x32xf32, #tpu.memory_space<vmem>>, vector<16xf32>,
    %get3A_146 = arith.constant 1 : i32
    %get3A_147 = arith.index_cast %get3A_146 : i32 to index
    %get3A_148 = arith.constant 16 : index
    %get3A_149 = tpu.vector_load %arg9[%get3A_147, %get3A_148] {strides = array<i32>} : memref<16x32xf32, #tpu.memory_space<vmem>>, vector<16xf32>,
    %get3A_150 = arith.constant 2 : i32
    %get3A_151 = arith.index_cast %get3A_150 : i32 to index
    %get3A_152 = arith.constant 16 : index
    %get3A_153 = tpu.vector_load %arg9[%get3A_151, %get3A_152] {strides = array<i32>} : memref<16x32xf32, #tpu.memory_space<vmem>>, vector<16xf32>,
    %get3A_154 = arith.constant 3 : i32
    %get3A_155 = arith.index_cast %get3A_154 : i32 to index
    %get3A_156 = arith.constant 16 : index
    %get3A_157 = tpu.vector_load %arg9[%get3A_155, %get3A_156] {strides = array<i32>} : memref<16x32xf32, #tpu.memory_space<vmem>>, vector<16xf32>,
    %get3A_158 = arith.constant 4 : i32
    %get3A_159 = arith.index_cast %get3A_158 : i32 to index
    %get3A_160 = arith.constant 16 : index
    %get3A_161 = tpu.vector_load %arg9[%get3A_159, %get3A_160] {strides = array<i32>} : memref<16x32xf32, #tpu.memory_space<vmem>>, vector<16xf32>,
    %get3A_162 = arith.constant 5 : i32
    %get3A_163 = arith.index_cast %get3A_162 : i32 to index
    %get3A_164 = arith.constant 16 : index
    %get3A_165 = tpu.vector_load %arg9[%get3A_163, %get3A_164] {strides = array<i32>} : memref<16x32xf32, #tpu.memory_space<vmem>>, vector<16xf32>,
    %get3A_166 = arith.constant 6 : i32
    %get3A_167 = arith.index_cast %get3A_166 : i32 to index
    %get3A_168 = arith.constant 16 : index
    %get3A_169 = tpu.vector_load %arg9[%get3A_167, %get3A_168] {strides = array<i32>} : memref<16x32xf32, #tpu.memory_space<vmem>>, vector<16xf32>,
    %get3A_170 = arith.constant 7 : i32
    %get3A_171 = arith.index_cast %get3A_170 : i32 to index
    %get3A_172 = arith.constant 16 : index
    %get3A_173 = tpu.vector_load %arg9[%get3A_171, %get3A_172] {strides = array<i32>} : memref<16x32xf32, #tpu.memory_space<vmem>>, vector<16xf32>,
    %get3A_174 = arith.constant 8 : i32
    %get3A_175 = arith.index_cast %get3A_174 : i32 to index
    %get3A_176 = arith.constant 16 : index
    %get3A_177 = tpu.vector_load %arg9[%get3A_175, %get3A_176] {strides = array<i32>} : memref<16x32xf32, #tpu.memory_space<vmem>>, vector<16xf32>,
    %get3A_178 = arith.constant 9 : i32
    %get3A_179 = arith.index_cast %get3A_178 : i32 to index
    %get3A_180 = arith.constant 16 : index
    %get3A_181 = tpu.vector_load %arg9[%get3A_179, %get3A_180] {strides = array<i32>} : memref<16x32xf32, #tpu.memory_space<vmem>>, vector<16xf32>,
    %get3A_182 = arith.constant 10 : i32
    %get3A_183 = arith.index_cast %get3A_182 : i32 to index
    %get3A_184 = arith.constant 16 : index
    %get3A_185 = tpu.vector_load %arg9[%get3A_183, %get3A_184] {strides = array<i32>} : memref<16x32xf32, #tpu.memory_space<vmem>>, vector<16xf32>,
    %get3A_186 = arith.constant 11 : i32
    %get3A_187 = arith.index_cast %get3A_186 : i32 to index
    %get3A_188 = arith.constant 16 : index
    %get3A_189 = tpu.vector_load %arg9[%get3A_187, %get3A_188] {strides = array<i32>} : memref<16x32xf32, #tpu.memory_space<vmem>>, vector<16xf32>,
    %get3A_190 = arith.constant 12 : i32
    %get3A_191 = arith.index_cast %get3A_190 : i32 to index
    %get3A_192 = arith.constant 16 : index
    %get3A_193 = tpu.vector_load %arg9[%get3A_191, %get3A_192] {strides = array<i32>} : memref<16x32xf32, #tpu.memory_space<vmem>>, vector<16xf32>,
    %get3A_194 = arith.constant 13 : i32
    %get3A_195 = arith.index_cast %get3A_194 : i32 to index
    %get3A_196 = arith.constant 16 : index
    %get3A_197 = tpu.vector_load %arg9[%get3A_195, %get3A_196] {strides = array<i32>} : memref<16x32xf32, #tpu.memory_space<vmem>>, vector<16xf32>,
    %get3A_198 = arith.constant 14 : i32
    %get3A_199 = arith.index_cast %get3A_198 : i32 to index
    %get3A_200 = arith.constant 16 : index
    %get3A_201 = tpu.vector_load %arg9[%get3A_199, %get3A_200] {strides = array<i32>} : memref<16x32xf32, #tpu.memory_space<vmem>>, vector<16xf32>,
    %get3A_202 = arith.constant 15 : i32
    %get3A_203 = arith.index_cast %get3A_202 : i32 to index
    %get3A_204 = arith.constant 16 : index
    %get3A_205 = tpu.vector_load %arg9[%get3A_203, %get3A_204] {strides = array<i32>} : memref<16x32xf32, #tpu.memory_space<vmem>>, vector<16xf32>,
    %add3A_206 = arith.addf %get3A_81, %get3A_85 : vector<16xf32>
    %add3A_207 = arith.addf %get3A_89, %get3A_93 : vector<16xf32>
    %add3A_208 = arith.addf %get3A_97, %get3A_101 : vector<16xf32>
    %add3A_209 = arith.addf %get3A_105, %get3A_109 : vector<16xf32>
    %add3A_210 = arith.addf %get3A_113, %get3A_117 : vector<16xf32>
    %add3A_211 = arith.addf %get3A_121, %get3A_125 : vector<16xf32>
    %add3A_212 = arith.addf %get3A_129, %get3A_133 : vector<16xf32>
    %add3A_213 = arith.addf %get3A_137, %get3A_141 : vector<16xf32>
    %add3A_214 = arith.addf %get3A_145, %get3A_149 : vector<16xf32>
    %add3A_215 = arith.addf %get3A_153, %get3A_157 : vector<16xf32>
    %add3A_216 = arith.addf %get3A_161, %get3A_165 : vector<16xf32>
    %add3A_217 = arith.addf %get3A_169, %get3A_173 : vector<16xf32>
    %add3A_218 = arith.addf %get3A_177, %get3A_181 : vector<16xf32>
    %add3A_219 = arith.addf %get3A_185, %get3A_189 : vector<16xf32>
    %add3A_220 = arith.addf %get3A_193, %get3A_197 : vector<16xf32>
    %add3A_221 = arith.addf %get3A_201, %get3A_205 : vector<16xf32>
    %add3A_222 = arith.addf %add3A_206, %add3A_207 : vector<16xf32>
    %add3A_223 = arith.addf %add3A_208, %add3A_209 : vector<16xf32>
    %add3A_224 = arith.addf %add3A_210, %add3A_211 : vector<16xf32>
    %add3A_225 = arith.addf %add3A_212, %add3A_213 : vector<16xf32>
    %add3A_226 = arith.addf %add3A_214, %add3A_215 : vector<16xf32>
    %add3A_227 = arith.addf %add3A_216, %add3A_217 : vector<16xf32>
    %add3A_228 = arith.addf %add3A_218, %add3A_219 : vector<16xf32>
    %add3A_229 = arith.addf %add3A_220, %add3A_221 : vector<16xf32>
    %add3A_230 = arith.addf %add3A_222, %add3A_223 : vector<16xf32>
    %add3A_231 = arith.addf %add3A_224, %add3A_225 : vector<16xf32>
    %add3A_232 = arith.addf %add3A_226, %add3A_227 : vector<16xf32>
    %add3A_233 = arith.addf %add3A_228, %add3A_229 : vector<16xf32>
    %add3A_234 = arith.addf %add3A_230, %add3A_231 : vector<16xf32>
    %add3A_235 = arith.addf %add3A_232, %add3A_233 : vector<16xf32>
    %swap3A = arith.constant 0 : index
    %swap3A_236 = tpu.vector_load %arg10[%swap3A] {strides = array<i32>} : memref<32xf32, #tpu.memory_space<vmem>>, vector<16xf32>,
    tpu.vector_store %arg10[%swap3A], %add3A_234 {strides = array<i32>} : memref<32xf32, #tpu.memory_space<vmem>>, vector<16xf32>,
    %swap3A_237 = arith.constant 16 : index
    %swap3A_238 = tpu.vector_load %arg10[%swap3A_237] {strides = array<i32>} : memref<32xf32, #tpu.memory_space<vmem>>, vector<16xf32>,
    tpu.vector_store %arg10[%swap3A_237], %add3A_235 {strides = array<i32>} : memref<32xf32, #tpu.memory_space<vmem>>, vector<16xf32>,
    "tpu.region"() ({
      %run_scoped3A = tpu.sem_alloc : memref<!tpu.dma_semaphore, #tpu.memory_space<semaphore_mem>>
      %dma_start3A_239 = tpu.memref_slice %arg4[%multiple_of3A] : memref<512xf32, #tpu.memory_space<hbm>> -> memref<32xf32, #tpu.memory_space<hbm>>
      %dma_start3A_240 = tpu.memref_slice %arg4[%multiple_of3A] : memref<512xf32, #tpu.memory_space<hbm>> -> memref<32xf32, #tpu.memory_space<hbm>>
      tpu.enqueue_dma source(%arg10 : memref<32xf32, #tpu.memory_space<vmem>>) target(%dma_start3A_240 : memref<32xf32, #tpu.memory_space<hbm>>) target_semaphore(%run_scoped3A : memref<!tpu.dma_semaphore, #tpu.memory_space<semaphore_mem>>)
      %dma_wait3A_241 = tpu.memref_slice %arg4[%multiple_of3A] : memref<512xf32, #tpu.memory_space<hbm>> -> memref<32xf32, #tpu.memory_space<hbm>>
      %dma_wait3A_242 = tpu.memref_slice %arg4[%multiple_of3A] : memref<512xf32, #tpu.memory_space<hbm>> -> memref<32xf32, #tpu.memory_space<hbm>>
      tpu.wait_dma2 semaphore(%run_scoped3A : memref<!tpu.dma_semaphore, #tpu.memory_space<semaphore_mem>>) src(%arg10 : memref<32xf32, #tpu.memory_space<vmem>>) dst(%dma_wait3A_242 : memref<32xf32, #tpu.memory_space<hbm>>)
      tpu.yield
    }) : () -> ()
    return
  }
}

</mosaic_0001>

<sc_bundles>
// kernel: kernel.3.cloned.1.call-start
scs
__scs_entry_jumppad:
0x0: {  	(pc) =	sbr.rel $0x88, $3  }
0x1: {  	(tag) =	ssettag $0x0;
	lr =	simm.s32 $0x1  }
0x2: {  	[smem:$0x3F9F] =	sst lr;
	_ =	strace $0xD0000000  }
0x3: {  	_ = 	snop  }
0x4: {  	_ = 	snop  }
0x5: {  	_ = 	snop  }
0x6: {  	_ = 	snop  }
0x7: {  	_ = 	snop  }
__scs_overlays_trampoline_lowered:
0x8: {  	[smem:$0x3FAE] =	sst s0  }
0x9: {  	[smem:$0x3FAF] =	sst s1  }
0xa: {  	[smem:$0x3FB0] =	sst s2  }
0xb: {  	[smem:$0x3FB1] =	sst s3  }
0xc: {  	[smem:$0x3FB2] =	sst s4  }
0xd: {  	[smem:$0x3FB3] =	sst s5  }
0xe: {  	[smem:$0x3FB4] =	sst s6  }
0xf: {  	[smem:$0x3FB5] =	sst s7  }
0x10: {  	[smem:$0x3FB6] =	sst s8  }
0x11: {  	[smem:$0x3FB7] =	sst s9;
	s0 =	simm.s32 @!p0 $0x0  }
0x12: {  	s1 =	sld [smem:$0x3F9D];
	s0 =	simm.s32 @p0 $0x1  }
0x13: {  	[smem:$0x3FB8] =	sst s0;
	s0 =	simm.s32 @!p1 $0x0  }
0x14: {  	s2 =	sld [smem:$0x3F9C];
	s0 =	simm.s32 @p1 $0x1  }
0x15: {  	[smem:$0x3FB9] =	sst s0;
	s0 =	simm.s32 @!p2 $0x0  }
0x16: {  	s3 =	sld [smem:$0x3FDB];
	s0 =	simm.s32 @p2 $0x1  }
0x17: {  	s4 =	simm.s32 $0x1BF5;
	[smem:$0x3FBB] =	sst s0  }
0x18: {  	s0 =	sld [smem:$0x3F9E];
	_ =	swait.ge [sflag:s4], $0x0  }
0x19: {  	s7 =	sld [smem:$0x3F9F]  }
0x1a: {  	s8 =	sadd.s32 $0xFFFFE003, lr  }
0x1b: {  	s9 =	sadd.s32 $0xFFFFFEF7, lr;
	s5 =	simm.s32 $0xFFFFFFFF;
	p2 =	slt.u32 s8, $0xFFFFF086  }
0x1c: {  	p1 =	slt.u32 s9, $0xF7A;
	s5 =	simm.s32 @!p2 $0x0  }
0x1d: {  	s5 =	simm.s32 @p1 $0x1;
	p0 =	seq.s32 s7, s2  }
0x1e: {  	s7 =	smul.u32 @!p0 $0xF7A, s2;
	p2 =	seq.s32 @!p0 s5, $0x0  }
0x1f: {  	s9 =	smul.u32 $0xF7A, s1;
	s8 =	simm.s32 @!p0 $0x1BF5;
	p2 =	por !p2, p0  }
0x20: {  	[sflag:s8] =	ssyncset.s32 @!p0 $0xFFFFF086;
	s6 =	sadd.s32 @!p0 s3, s7;
	s7 =	simm.s32 @!p0 $0x108  }
0x21: {  	s3 =	sadd.s32 s3, s9;
	s6 =	sadd.s32 @!p0 $0x88, s6;
	s7 =	simm.s32 @p2 $0x1082  }
0x22: {  	[simem:s7], [sflag:s8] =	dma.local @!p0 [hbm:s6], $0xF7A  }
0x23: {  	s9 =	sor.u32 $0xD0000000, s2;
	s6 =	simm.s32 $0x108;
	_ =	swait.ge @!p0 [sflag:s8], $0x0  }
0x24: {  	s3 =	sadd.s32 $0x88, s3;
	s6 =	simm.s32 @!p1 $0x1082;
	[sflag:s4] =	ssyncset.s32 $0xFFFFF086  }
0x25: {  	[simem:s6], [sflag:s4] =	dma.local [hbm:s3], $0xF7A  }
0x26: {  	[smem:$0x3F9F] =	sst s1;
	(tag) =	ssettag s2;
	_ =	strace s9  }
0x27: {  	s1 =	sld [smem:$0x3FAF]  }
0x28: {  	s2 =	sld [smem:$0x3FB0]  }
0x29: {  	s4 =	sld [smem:$0x3FB2]  }
0x2a: {  	p0 =	seq.s32 s5, $0x0;
	s5 =	sld [smem:$0x3FB3]  }
0x2b: {  	s6 =	sld [smem:$0x3FB4]  }
0x2c: {  	s7 =	sld [smem:$0x3FB5]  }
0x2d: {  	s3 =	simm.s32 $0x108;
	s8 =	sld [smem:$0x3FB6]  }
0x2e: {  	s3 =	simm.s32 @!p0 $0x1082;
	s9 =	sld [smem:$0x3FB7]  }
0x2f: {  	lr =	sadd.s32 s0, s3;
	s0 =	sld [smem:$0x3FAE]  }
0x30: {  	s3 =	sld [smem:$0x3FB1]  }
0x31: {  	[smem:$0x3FBA] =	sst s10  }
0x32: {  	s10 =	sld [smem:$0x3FB8];
	_ =	sdelay $0x3  }
0x33: {  	p0 =	seq.s32 s10, $0x1;
	s10 =	sld [smem:$0x3FBA];
	_ =	sdelay $0x3  }
0x34: {  	[smem:$0x3FBA] =	sst s10  }
0x35: {  	s10 =	sld [smem:$0x3FB9];
	_ =	sdelay $0x3  }
0x36: {  	p1 =	seq.s32 s10, $0x1;
	s10 =	sld [smem:$0x3FBA];
	_ =	sdelay $0x3  }
0x37: {  	[smem:$0x3FBA] =	sst s10  }
0x38: {  	s10 =	sld [smem:$0x3FBB]  }
0x39: {  	_ = 	snop;
	(pc) =	sbr.ind lr, $3  }
0x3a: {  	_ = 	snop  }
0x3b: {  	_ = 	snop  }
0x3c: {  	p2 =	seq.s32 s10, $0x1;
	s10 =	sld [smem:$0x3FBA]  }
0x3d: {  	_ =	shalt  }
0x3e: {  	_ =	shalt  }
0x3f: {  	_ =	shalt  }
0x40: {  	_ =	shalt  }
0x41: {  	_ =	shalt  }
0x42: {  	_ =	shalt  }
0x43: {  	_ =	shalt  }
0x44: {  	_ =	shalt  }
0x45: {  	_ =	shalt  }
0x46: {  	_ =	shalt  }
0x47: {  	_ =	shalt  }
0x48: {  	_ =	shalt  }
0x49: {  	_ =	shalt  }
0x4a: {  	_ =	shalt  }
0x4b: {  	_ =	shalt  }
0x4c: {  	_ =	shalt  }
0x4d: {  	_ =	shalt  }
0x4e: {  	_ =	shalt  }
0x4f: {  	_ =	shalt  }
0x50: {  	_ =	shalt  }
0x51: {  	_ =	shalt  }
0x52: {  	_ =	shalt  }
0x53: {  	_ =	shalt  }
0x54: {  	_ =	shalt  }
0x55: {  	_ =	shalt  }
0x56: {  	_ =	shalt  }
0x57: {  	_ =	shalt  }
0x58: {  	_ =	shalt  }
0x59: {  	_ =	shalt  }
0x5a: {  	_ =	shalt  }
0x5b: {  	_ =	shalt  }
0x5c: {  	_ =	shalt  }
0x5d: {  	_ =	shalt  }
0x5e: {  	_ =	shalt  }
0x5f: {  	_ =	shalt  }
0x60: {  	_ =	shalt  }
0x61: {  	_ =	shalt  }
0x62: {  	_ =	shalt  }
0x63: {  	_ =	shalt  }
0x64: {  	_ =	shalt  }
0x65: {  	_ =	shalt  }
0x66: {  	_ =	shalt  }
0x67: {  	_ =	shalt  }
0x68: {  	_ =	shalt  }
0x69: {  	_ =	shalt  }
0x6a: {  	_ =	shalt  }
0x6b: {  	_ =	shalt  }
0x6c: {  	_ =	shalt  }
0x6d: {  	_ =	shalt  }
0x6e: {  	_ =	shalt  }
0x6f: {  	_ =	shalt  }
0x70: {  	_ =	shalt  }
0x71: {  	_ =	shalt  }
0x72: {  	_ =	shalt  }
0x73: {  	_ =	shalt  }
0x74: {  	_ =	shalt  }
0x75: {  	_ =	shalt  }
0x76: {  	_ =	shalt  }
0x77: {  	_ =	shalt  }
0x78: {  	_ =	shalt  }
0x79: {  	_ =	shalt  }
0x7a: {  	_ =	shalt  }
0x7b: {  	_ =	shalt  }
0x7c: {  	_ =	shalt  }
0x7d: {  	_ =	shalt  }
0x7e: {  	_ =	shalt  }
0x7f: {  	_ =	shalt  }
0x80: {  	_ =	shalt  }
0x81: {  	_ =	shalt  }
0x82: {  	_ =	shalt  }
0x83: {  	_ =	shalt  }
0x84: {  	_ =	shalt  }
0x85: {  	_ =	shalt  }
0x86: {  	_ =	shalt  }
0x87: {  	_ =	shalt  }
.Lfunc_end0:
.L_simem_size_0:
called_computation_lowered:
.L_overlay_start_0:
0x88: {  	s0 =	sld [smem:$0x3FD9]  }
0x89: {  	s1 =	sld [smem:$0x3FFE];
	_ =	sdelay $0x3  }
0x8a: {  	s0 =	sadd.s32 s1, s0  }
0x8b: {  	[smem:$0x3FC6] =	sst s0  }
0x8c: {  	_ = 	snop  }
0x8d: {  	s0 =	sld [smem:$0x3FC8]  }
0x8e: {  	s16 =	sld [smem:$0x3FD0];
	(tm) =	ssettm $0x1  }
0x8f: {  	s2 =	sld [smem:$0x3FFB];
	_ =	sdelay $0x3  }
0x90: {  	_ =	strace s2  }
0x91: {  	s2 =	sld [smem:$0x3FFC];
	_ =	sdelay $0x3  }
0x92: {  	_ =	strace s2  }
0x93: {  	s2 =	sld [smem:$0x3FFD];
	_ =	sdelay $0x3  }
0x94: {  	_ =	strace s2  }
0x95: {  	_ =	strace $0x8FFFFFFF  }
0x96: {  	s17 =	sld [smem:$0x3FDB];
	_ =	sdelay $0x1  }
0x97: {  	s3 =	simm.s32 $_scs_section_size  }
0x98: {  	s4 =	simm.s32 $_size__tile_overlayer_lowered;
	s5 =	simm.s32 $_tile_overlayer_lowered  }
0x99: {  	s20 =	simm.s32 $0x1BFF;
	s19 =	sshll.u32 s5, $0x1;
	s2 =	sadd.s32 s3, s17  }
0x9a: {  	s6 =	simm.s32 $0x0;
	s18 =	sshll.u32 s4, $0x1;
	s4 =	sadd.s32 s19, s2  }
0x9b: {  	[timem:s6], [sflag:s20] =	dma.local [hbm:s4], s18  }
0x9c: {  	_ =	swait.ge [sflag:s20], s18  }
0x9d: {  	s3 =	ssub.s32 $0x0, s18;
	[sflag:s20] =	ssyncset.done $0x0  }
0x9e: {  	[sflag:s20] =	ssyncadd.s32 s3;
	_ =	sdelay $0x1  }
0x9f: {  	s21 =	simm.s32 $0x1B8B  }
0xa0: {  	_ =	swait.ge [sflag:s21], $0x1  }
0xa1: {  	[sflag:s21] =	ssyncset.done $0x0  }
0xa2: {  	s23 =	simm.s32 $0x1B8E;
	s22 =	sld [smem:$0x3FFE];
	[sflag:s21] =	ssyncadd.s32 $0xFFFFFFFF  }
0xa3: {  	s24 =	simm.s32 $execute0_lowered;
	[smem:$0x3FD2] =	sst s23  }
0xa4: {  	s4 =	sshll.u32 s24, $0x1;
	_ =	strace $0x80000046;
	[dreg:$0x1] =	wrdreg $0xFFFFFFFF  }
0xa5: {  	s25 =	simm.s32 $_size_execute0_lowered;
	s2 =	sadd.s32 s2, s4;
	[dreg:$0x0] =	wrdreg $0x0  }
0xa6: {  	s4 =	sshll.u32 s25, $0x1;
	[dreg:$0x2] =	wrdreg s2  }
0xa7: {  	[dreg:$0x3] =	wrdreg s4  }
0xa8: {  	[dreg:$0x4] =	wrdreg $0xC0  }
0xa9: {  	_ =	task [dreg:s6], $0x5FFFF  }
0xaa: {  	[dreg:$0x1] =	wrdreg $0xFFFFFFFF  }
0xab: {  	[dreg:$0x0] =	wrdreg $0x60  }
0xac: {  	[dreg:$0x2] =	wrdreg s22  }
0xad: {  	[dreg:$0x3] =	wrdreg s0  }
0xae: {  	[dreg:$0x4] =	wrdreg s16  }
0xaf: {  	[dreg:$0x5] =	wrdreg $0x45200  }
0xb0: {  	[dreg:$0x6] =	wrdreg $0x9  }
0xb1: {  	_ =	task.clear_ibuf [dreg:s6], $0x7FFFF;
	_ =	strace $0x90000046  }
0xb2: {  	s26 =	simm.s32 $0x9;
	_ =	strace $0x80000048  }
0xb3: {  	_ =	swait.ge [sflag:s26], $0x1  }
0xb4: {  	[sflag:s26] =	ssyncadd.s32 $0xFFFFFFFF  }
0xb5: {  	_ =	strace $0x90000048  }
0xb6: {  	_ =	sfence  }
0xb7: {  	s28 =	sld [smem:$0x0];
	_ =	sdelay $0x1  }
0xb8: {  	s29 =	srdreg.scid  }
0xb9: {  	s30 =	sshll.u32 s29, $0xD;
	s31 =	sshrl.u32 s29, $0x2  }
0xba: {  	s1 =	sand.u32 $0x1, s29;
	s2 =	sand.u32 $0x4000, s30;
	s0 =	sadd.s32 s31, s28  }
0xbb: {  	s1 =	sor.u32 s2, s1;
	s0 =	sshll.u32 s0, $0x11  }
0xbc: {  	s0 =	sor.u32 s0, s1  }
0xbd: {  	s0 =	sadd.s32 $0x8F2B, s0  }
0xbe: {  	[sflag:s0] =	ssyncadd.remote.s32 $0x1  }
0xbf: {  	_ =	sfence.sel $0xFFFF  }
0xc0: {  	[dreg:$0x0] =	wrdreg $0xFFFFFFFF;
	(pc) =	sbr.abs _section_cstart, $3  }
0xc1: {  	[dreg:$0x1] =	wrdreg $0xFFFFFFFF  }
0xc2: {  	_ =	task.clear_ibuf [dreg:s6], $0x2FFFF;
	_ =	strace $0x9FFFFFFF  }
0xc3: {  	(tm) =	ssettm $0x7FFFFFFF  }
tec
execute0_lowered:
.L_overlay_start_1:
0x0: {  	(tag) =	ssettag $0x1  }
0x1: {  	s0 =	stileid.u32  }
0x2: {  	s1 =	smul.u32 $0x186, s0  }
0x3: {  	s7 =	rddreg [dreg:$0x0];
	s5 =	smin.u32 s0, $0xA  }
0x4: {  	s8 =	rddreg [dreg:$0x1];
	s1 =	sadd.s32 s5, s1  }
0x5: {  	s2 =	rddreg [dreg:$0x2];
	s4 =	sshll.u32 s1, $0x4  }
0x6: {  	s3 =	rddreg [dreg:$0x3];
	s9 =	simm.s32 $0x0;
	s6 =	smin.u32 s4, $0x16E30  }
0x7: {  	[smem:$0x7FF] =	sst s9;
	s10 =	sshrl.u32 s6, $0x3  }
0x8: {  	s1 =	rddreg [dreg:$0x4];
	_ =	strace $0x80000047;
	s11 =	sadd.s32 s7, s10  }
0x9: {  	[tilespmem:s9], [sflag:$0x1] =	stream.linear.gather [hbm4b:s11+s9], $0xC30, $0x38;
	[tilespmem:$0x4720] =	vst v63  }
0xa: {  	s12 =	simm.s32 $0x1870;
	s28 =	sadd.s32 s8, s10;
	s10 =	sadd.s32 $0x186, s10  }
0xb: {  	[tilespmem:s12], [sflag:$0x1] =	stream.linear.gather [hbm4b:s28+s9], $0xC30, $0x38;
	[tilespmem:$0x4720] =	vst v63  }
0xc: {  	s29 =	simm.s32 $0xC30;
	s7 =	sadd.s32 s7, s10  }
0xd: {  	[tilespmem:s29], [sflag:$0x2] =	stream.linear.gather [hbm4b:s7+s9], $0xC40, $0x38;
	[tilespmem:$0x4720] =	vst v63  }
0xe: {  	s31 =	simm.s32 $0x24A0;
	s30 =	sadd.s32 s8, s10;
	s7 =	simm.s32 $0x3100  }
0xf: {  	v0 =	vimm.f32 $0.0e+00;
	[tilespmem:s31], [sflag:$0x2] =	stream.linear.gather [hbm4b:s30+s9], $0xC40, $0x38;
	[tilespmem:$0x4720] =	vst v63  }
0x10: {  	[tilespmem:s7+$0xFFFFFFE0] =	vst v0  }
0x11: {  	[tilespmem:s7+$0x10] =	vst v0  }
0x12: {  	s8 =	simm.s32 $0x0;
	[tilespmem:s7+$0x0] =	vst v0  }
.LBB2_1:
0x13: {  	s8 =	sadd.s32 $0x40, s8  }
0x14: {  	[tilespmem:s7+$0xFFFFFFF0] =	vst v0;
	s7 =	sadd.s32 $0x40, s7;
	p0 =	slt.u32 s8, $0xFC0  }
.Ltmp0:
0x15: {  	[tilespmem:s7+$0xFFFFFFE0] =	vst v0;
	(pc) =	sbr.rel @p0 .LBB2_1-.Ltmp0, $3  }
0x16: {  	_ =	sdelay $0x1  }
0x17: {  	[tilespmem:s7+$0x10] =	vst v0  }
0x18: {  	[tilespmem:s7+$0x0] =	vst v0  }
0x19: {  	[tilespmem:s7+$0xFFFFFFF0] =	vst v0;
	s7 =	simm.s32 $0xFF0;
	s8 =	simm.s32 $0x40E0;
	v0 =	vimm.f32 $0.0e+00  }
.LBB2_3:
0x1a: {  	s7 =	sadd.s32 $0x10, s7  }
0x1b: {  	p0 =	slt.u32 s7, $0x1010  }
.Ltmp1:
0x1c: {  	_ = 	snop;
	(pc) =	sbr.rel @p0 .LBB2_3-.Ltmp1, $2  }
0x1d: {  	_ =	sdelay $0x2  }
0x1e: {  	[tilespmem:s8+$0x0] =	vst v0;
	s8 =	sadd.s32 $0x10, s8  }
0x1f: {  	s7 =	simm.s32 $0x1  }
0x20: {  	_ =	swait.ge [sflag:s7], $0xC30  }
0x21: {  	[sflag:s7] =	ssyncset.done $0x0  }
0x22: {  	[sflag:s7] =	ssyncadd.s32 $0xFFFFF3D0  }
0x23: {  	_ =	swait.ge [sflag:s7], $0xC30  }
0x24: {  	s4 =	ssub.s32 s4, s6;
	[sflag:s7] =	ssyncset.done $0x0  }
0x25: {  	s31 =	sadd.s32 $0x1870, s4;
	[sflag:s7] =	ssyncadd.s32 $0xFFFFF3D0  }
0x26: {  	v1 =	vld [tilespmem:s31+$0x10]  }
0x27: {  	v0 =	vlaneseq.u32  }
0x28: {  	v0 =	vand.u32 $0x7, v0;
	v6 =	vld [tilespmem:s31+$0x0]  }
0x29: {  	v0 =	vmul.u32 $0x203, v0  }
0x2a: {  	v7 =	vld [tilespmem:s4+$0x10]  }
0x2b: {  	s8 =	sadd.s32 $0x20, s31;
	v5 =	vld [tilespmem:s4+$0x0];
	v8 =	vadd.s32 v0, v1  }
0x2c: {  	s9 =	sadd.s32 $0x20, s4;
	v4 =	vld [tilespmem:s8+$0x10]  }
0x2d: {  	v2 =	vld [tilespmem:s9+$0x10];
	v6 =	vadd.s32 v0, v6  }
0x2e: {  	v1 =	vld [tilespmem:s8+$0x0]  }
0x2f: {  	s7 =	simm.s32 $0x30E0;
	v3 =	vld [tilespmem:s9+$0x0]  }
0x30: {  	s10 =	simm.s32 $0x20;
	[tilespmem:v8+s7+$0x0] =	vst.idx.add.f32.msk $0xffff, v7  }
.LBB2_5:
0x31: {  	s10 =	sadd.s32 $0x20, s10  }
0x32: {  	v7 =	vadd.s32 v0, v4;
	s8 =	sadd.s32 $0x20, s8;
	[tilespmem:v6+s7+$0x0] =	vst.idx.add.f32.msk $0xffff, v5;
	p0 =	slt.u32 s10, $0xC00  }
.Ltmp2:
0x33: {  	v4 =	vld [tilespmem:s8+$0x10];
	v6 =	vadd.s32 v0, v1;
	(pc) =	sbr.rel @p0 .LBB2_5-.Ltmp2, $4  }
0x34: {  	s9 =	sadd.s32 $0x20, s9;
	v1 =	vld [tilespmem:s8+$0x0];
	v8 =	vmov v2  }
0x35: {  	v2 =	vld [tilespmem:s9+$0x10];
	v5 =	vmov v3  }
0x36: {  	v3 =	vld [tilespmem:s9+$0x0]  }
0x37: {  	[tilespmem:v7+s7+$0x0] =	vst.idx.add.f32.msk $0xffff, v8  }
0x38: {  	v4 =	vadd.s32 v0, v4  }
0x39: {  	v0 =	vadd.s32 v0, v1;
	_ =	sdelay $0x2  }
0x3a: {  	[tilespmem:v6+s7+$0x0] =	vst.idx.add.f32.msk $0xffff, v5  }
0x3b: {  	[tilespmem:v4+s7+$0x0] =	vst.idx.add.f32.msk $0xffff, v2  }
0x3c: {  	s30 =	simm.s32 $0x2;
	s8 =	smul.u32 $0x6180, s0;
	[tilespmem:v0+s7+$0x0] =	vst.idx.add.f32.msk $0xffff, v3  }
0x3d: {  	s5 =	sshll.u32 s5, $0x6;
	_ =	swait.ge [sflag:s30], $0xC40  }
0x3e: {  	s6 =	sshll.u32 s6, $0x2;
	s5 =	sadd.s32 s5, s8;
	[sflag:s30] =	ssyncset.done $0x0  }
0x3f: {  	s5 =	ssub.s32 s5, s6;
	[sflag:s30] =	ssyncadd.s32 $0xFFFFF3C0  }
0x40: {  	s5 =	sadd.s32 $0x30C0, s5;
	_ =	swait.ge [sflag:s30], $0xC40  }
0x41: {  	s5 =	sshra.s32 s5, $0x2;
	[sflag:s30] =	ssyncset.done $0x0  }
0x42: {  	s31 =	sadd.s32 $0x1870, s5;
	[sflag:s30] =	ssyncadd.s32 $0xFFFFF3C0  }
0x43: {  	v1 =	vld [tilespmem:s31+$0x0]  }
0x44: {  	v0 =	vlaneseq.u32  }
0x45: {  	v0 =	vand.u32 $0x7, v0;
	v6 =	vld [tilespmem:s31+$0xFFFFFFF0]  }
0x46: {  	v0 =	vmul.u32 $0x203, v0  }
0x47: {  	v7 =	vld [tilespmem:s5+$0x0]  }
0x48: {  	s6 =	sadd.s32 $0x20, s31;
	v5 =	vld [tilespmem:s5+$0xFFFFFFF0];
	v8 =	vadd.s32 v0, v1  }
0x49: {  	s7 =	sadd.s32 $0x20, s5;
	v4 =	vld [tilespmem:s6+$0x0]  }
0x4a: {  	v2 =	vld [tilespmem:s7+$0x0];
	v6 =	vadd.s32 v0, v6  }
0x4b: {  	v1 =	vld [tilespmem:s6+$0xFFFFFFF0]  }
0x4c: {  	s5 =	simm.s32 $0x30E0;
	v3 =	vld [tilespmem:s7+$0xFFFFFFF0]  }
0x4d: {  	s8 =	simm.s32 $0xC40;
	[tilespmem:v8+s5+$0x0] =	vst.idx.add.f32.msk $0xffff, v7  }
.LBB2_7:
0x4e: {  	s8 =	sadd.s32 $0x20, s8  }
0x4f: {  	v7 =	vadd.s32 v0, v4;
	s6 =	sadd.s32 $0x20, s6;
	[tilespmem:v6+s5+$0x0] =	vst.idx.add.f32.msk $0xffff, v5;
	p0 =	slt.u32 s8, $0x1840  }
.Ltmp3:
0x50: {  	v4 =	vld [tilespmem:s6+$0x0];
	v6 =	vadd.s32 v0, v1;
	(pc) =	sbr.rel @p0 .LBB2_7-.Ltmp3, $4  }
0x51: {  	s7 =	sadd.s32 $0x20, s7;
	v1 =	vld [tilespmem:s6+$0xFFFFFFF0];
	v8 =	vmov v2  }
0x52: {  	v2 =	vld [tilespmem:s7+$0x0];
	v5 =	vmov v3  }
0x53: {  	v3 =	vld [tilespmem:s7+$0xFFFFFFF0]  }
0x54: {  	[tilespmem:v7+s5+$0x0] =	vst.idx.add.f32.msk $0xffff, v8  }
0x55: {  	v4 =	vadd.s32 v0, v4  }
0x56: {  	v0 =	vadd.s32 v0, v1;
	_ =	sdelay $0x2  }
0x57: {  	[tilespmem:v6+s5+$0x0] =	vst.idx.add.f32.msk $0xffff, v5  }
0x58: {  	[tilespmem:v4+s5+$0x0] =	vst.idx.add.f32.msk $0xffff, v2  }
0x59: {  	p0 =	sgt.u32 s0, $0x9;
	v6 =	vimm.s32 $0x7654321;
	[tilespmem:v0+s5+$0x0] =	vst.idx.add.f32.msk $0xffff, v3  }
0x5a: {  	v7 =	vimm.s32 $0x32107654;
	v10 =	vimm.s32 $0x65432107;
	v1 =	vlaneseq.u32 @!p0;
	v0 =	vld @!p0 [tilespmem:s4+$0x30D0]  }
0x5b: {  	v6 =	vunpack.c.l.s4.s8 v6;
	v8 =	vunpack.c.l.s4.s8 v7;
	v1 =	vand.u32 @!p0 $0x7, v1  }
0x5c: {  	v12 =	vunpack.c.l.s4.s8 v10;
	v1 =	vmul.u32 @!p0 $0x203, v1;
	v2 =	vimm.s32 $0x21076543  }
0x5d: {  	v9 =	vunpack.c.0.s8.s32 v6;
	v4 =	vimm.s32 $0x54321076;
	v3 =	vunpack.c.l.s4.s8 v2  }
0x5e: {  	v6 =	vunpack.c.0.s8.s32 v8;
	v8 =	vunpack.c.0.s8.s32 v12;
	v5 =	vunpack.c.l.s4.s8 v4  }
0x5f: {  	v3 =	vunpack.c.0.s8.s32 v3;
	v13 =	vadd.s32 @!p0 v1, v0;
	v0 =	vlaneseq.u32  }
0x60: {  	v5 =	vunpack.c.0.s8.s32 v5;
	v1 =	vor.u32 $0xFFFFFFF8, v0;
	v2 =	vadd.s32 $0x203, v0  }
0x61: {  	s29 =	simm.s32 $0x0;
	v4 =	vadd.s32 $0x406, v0;
	v7 =	vadd.s32 $0x609, v0;
	v11 =	vadd.s32 $0x80C, v0  }
0x62: {  	v14 =	vld @!p0 [tilespmem:s4+$0x1860];
	v10 =	vadd.s32 $0xA0F, v0;
	v15 =	vor.u32 s29, v0;
	v16 =	vadd.s32 s29, v2  }
0x63: {  	v12 =	vadd.s32 $0xC12, v0;
	v17 =	vand.u32 v1, v15;
	v15 =	vand.u32 $0x7F8, v16  }
0x64: {  	v18 =	vadd.s32 s29, v4;
	v16 =	vimm.s32 $0x10765432;
	v19 =	vor.u32 v3, v15  }
0x65: {  	v18 =	vand.u32 $0x7F8, v18;
	v15 =	vunpack.c.l.s4.s8 v16;
	v16 =	vimm.s32 $0x43210765  }
0x66: {  	s7 =	simm.s32 $0x10;
	s4 =	simm.s32 @!p0 $0x30E0;
	v20 =	vadd.s32 s29, v7;
	v18 =	vor.u32 v5, v18;
	v16 =	vunpack.c.l.s4.s8 v16  }
0x67: {  	v24 =	vor.u32 s7, v0;
	v22 =	vadd.s32 s29, v12;
	v20 =	vand.u32 $0xFF8, v20;
	[tilespmem:v13+s4+$0x0] =	vst.idx.add.f32.msk @!p0 $0xffff, v14;
	s4 =	simm.s32 $0x30E0  }
0x68: {  	v13 =	vunpack.c.0.s8.s32 v16;
	v16 =	vld.idx.msk [tilespmem:v17+s4+$0x0], $0xffff;
	v17 =	vor.u32 v9, v20;
	v20 =	vadd.s32 s29, v11  }
0x69: {  	v23 =	vadd.s32 s29, v10;
	v24 =	vand.u32 v1, v24;
	v20 =	vand.u32 $0xBF8, v20;
	v19 =	vld.idx.msk [tilespmem:v19+s4+$0x0], $0xffff  }
0x6a: {  	v25 =	vadd.s32 s7, v2;
	v26 =	vadd.s32 s7, v4;
	v20 =	vor.u32 v6, v20  }
0x6b: {  	v23 =	vand.u32 $0xFF8, v23;
	v22 =	vand.u32 $0xFF8, v22;
	v25 =	vand.u32 $0x7F8, v25;
	v18 =	vld.idx.msk [tilespmem:v18+s4+$0x0], $0xffff  }
0x6c: {  	v23 =	vor.u32 v8, v23;
	v14 =	vunpack.c.0.s8.s32 v15;
	v15 =	vadd.s32 $0xE15, v0  }
0x6d: {  	v26 =	vand.u32 $0x7F8, v26;
	v25 =	vor.u32 v3, v25;
	v21 =	vadd.s32 s29, v15;
	v17 =	vld.idx.msk [tilespmem:v17+s4+$0x0], $0xffff  }
0x6e: {  	v22 =	vor.u32 v14, v22;
	v21 =	vand.u32 $0x1FF8, v21;
	v16 =	vadd.f32 v19, v16  }
0x6f: {  	v19 =	vld.idx.msk [tilespmem:v20+s4+$0x0], $0xffff;
	v20 =	vor.u32 v13, v21;
	v21 =	vor.u32 v5, v26;
	v26 =	vadd.s32 s7, v7  }
0x70: {  	v28 =	vadd.s32 s7, v12;
	v24 =	vld.idx.msk [tilespmem:v24+s4+$0x0], $0xffff;
	v26 =	vand.u32 $0xFF8, v26;
	v16 =	vadd.f32 v18, v16  }
0x71: {  	s6 =	simm.s32 $0x20;
	v29 =	vadd.s32 s7, v10;
	v18 =	vld.idx.msk [tilespmem:v23+s4+$0x0], $0xffff;
	v23 =	vor.u32 v9, v26;
	v26 =	vadd.s32 s7, v11  }
0x72: {  	v30 =	vadd.s32 s6, v4;
	v25 =	vld.idx.msk [tilespmem:v25+s4+$0x0], $0xffff;
	v26 =	vand.u32 $0xBF8, v26;
	v16 =	vadd.f32 v17, v16  }
0x73: {  	v27 =	vadd.s32 s7, v15;
	v22 =	vld.idx.msk [tilespmem:v22+s4+$0x0], $0xffff;
	v17 =	vor.u32 s6, v0;
	v26 =	vor.u32 v6, v26  }
0x74: {  	v31 =	vld.idx.msk [tilespmem:v20+s4+$0x0], $0xffff;
	v20 =	vand.u32 v1, v17;
	v17 =	vand.u32 $0xFF8, v29;
	v16 =	vadd.f32 v19, v16  }
0x75: {  	v21 =	vld.idx.msk [tilespmem:v21+s4+$0x0], $0xffff;
	v19 =	vadd.s32 s6, v2;
	v29 =	vor.u32 v8, v17;
	v17 =	vand.u32 $0xFF8, v28  }
0x76: {  	v19 =	vand.u32 $0x7F8, v19;
	v32 =	vor.u32 v14, v17;
	v18 =	vadd.f32 v18, v16  }
0x77: {  	v25 =	vadd.f32 v25, v24;
	v17 =	vld.idx.msk [tilespmem:v23+s4+$0x0], $0xffff;
	v23 =	vor.u32 v3, v19;
	v19 =	vand.u32 $0x1FF8, v27  }
0x78: {  	v28 =	vand.u32 $0x7F8, v30;
	v16 =	vld.idx.msk [tilespmem:v26+s4+$0x0], $0xffff;
	v19 =	vor.u32 v13, v19;
	v22 =	vadd.f32 v22, v18  }
0x79: {  	s8 =	sshll.u32 s0, $0x2;
	v24 =	vor.u32 v5, v28;
	v28 =	vadd.s32 s6, v12;
	v26 =	vadd.s32 s6, v7;
	v18 =	vld.idx.msk [tilespmem:v20+s4+$0x0], $0xffff  }
0x7a: {  	s30 =	sshll.u32 s0, $0x9;
	s31 =	sshll.u32 s0, $0x5;
	s2 =	sadd.s32 s2, s8;
	v26 =	vand.u32 $0xFF8, v26;
	v27 =	vadd.f32 v21, v25;
	v21 =	vld.idx.msk [tilespmem:v29+s4+$0x0], $0xffff;
	v25 =	vadd.f32 v31, v22  }
0x7b: {  	s5 =	sadd.s32 s30, s3;
	s3 =	sadd.s32 s31, s3;
	s7 =	simm.s32 $0x4100;
	v20 =	vadd.s32 s6, v15;
	v26 =	vor.u32 v9, v26;
	v29 =	vadd.s32 s6, v11;
	v22 =	vld.idx.msk [tilespmem:v32+s4+$0x0], $0xffff  }
.LBB2_9:
0x7c: {  	v30 =	vld.idx.msk [tilespmem:v23+s4+$0x0], $0xffff;
	v23 =	vand.u32 $0xBF8, v29;
	v29 =	vadd.s32 s6, v10;
	s6 =	sadd.s32 $0x10, s6;
	v17 =	vadd.f32 v17, v27;
	[tilespmem:s7+$0x0] =	vst v25  }
0x7d: {  	v25 =	vor.u32 s6, v0;
	v27 =	vadd.s32 s6, v4;
	v31 =	vor.u32 v6, v23;
	v32 =	vld.idx.msk [tilespmem:v19+s4+$0x0], $0xffff  }
0x7e: {  	p0 =	slt.u32 s6, $0x1F0;
	v19 =	vand.u32 $0xFF8, v29;
	v25 =	vand.u32 v1, v25;
	v33 =	vld.idx.msk [tilespmem:v24+s4+$0x0], $0xffff;
	v16 =	vadd.f32 v16, v17  }
0x7f: {  	v17 =	vadd.s32 s6, v2;
	v29 =	vor.u32 v8, v19;
	v19 =	vand.u32 $0xFF8, v28  }
0x80: {  	v23 =	vand.u32 $0x7F8, v17;
	v34 =	vor.u32 v14, v19;
	v17 =	vld.idx.msk [tilespmem:v26+s4+$0x0], $0xffff;
	v21 =	vadd.f32 v21, v16  }
.Ltmp4:
0x81: {  	v24 =	vand.u32 $0x7F8, v27;
	v19 =	vand.u32 $0x1FF8, v20;
	v23 =	vor.u32 v3, v23;
	(pc) =	sbr.rel @p0 .LBB2_9-.Ltmp4, $4  }
0x82: {  	v19 =	vor.u32 v13, v19;
	v26 =	vadd.f32 v30, v18;
	v16 =	vld.idx.msk [tilespmem:v31+s4+$0x0], $0xffff;
	v22 =	vadd.f32 v22, v21  }
0x83: {  	v24 =	vor.u32 v5, v24;
	v20 =	vadd.s32 s6, v15;
	v21 =	vadd.s32 s6, v7;
	v18 =	vld.idx.msk [tilespmem:v25+s4+$0x0], $0xffff  }
0x84: {  	v28 =	vand.u32 $0xFF8, v21;
	v27 =	vadd.f32 v33, v26;
	v21 =	vld.idx.msk [tilespmem:v29+s4+$0x0], $0xffff;
	v25 =	vadd.f32 v32, v22  }
0x85: {  	s7 =	sadd.s32 $0x10, s7;
	v26 =	vor.u32 v9, v28;
	v29 =	vadd.s32 s6, v11;
	v28 =	vadd.s32 s6, v12;
	v22 =	vld.idx.msk [tilespmem:v34+s4+$0x0], $0xffff  }
0x86: {  	_ =	sdelay $0x3  }
0x87: {  	v0 =	vld.idx.msk [tilespmem:v23+s4+$0x0], $0xffff;
	v1 =	vand.u32 $0xBF8, v29  }
0x88: {  	v2 =	vadd.s32 s6, v10;
	v1 =	vor.u32 v6, v1  }
0x89: {  	v3 =	vld.idx.msk [tilespmem:v24+s4+$0x0], $0xffff;
	v2 =	vand.u32 $0xFF8, v2  }
0x8a: {  	v2 =	vor.u32 v8, v2  }
0x8b: {  	v4 =	vand.u32 $0xFF8, v28;
	v5 =	vld.idx.msk [tilespmem:v26+s4+$0x0], $0xffff  }
0x8c: {  	v4 =	vor.u32 v14, v4;
	v0 =	vadd.f32 v0, v18  }
0x8d: {  	v41 =	vand.u32 $0x1FF8, v20;
	v1 =	vld.idx.msk [tilespmem:v1+s4+$0x0], $0xffff  }
0x8e: {  	v6 =	vor.u32 v13, v41;
	v0 =	vadd.f32 v3, v0  }
0x8f: {  	v42 =	vadd.f32 v17, v27;
	v2 =	vld.idx.msk [tilespmem:v2+s4+$0x0], $0xffff  }
0x90: {  	v0 =	vadd.f32 v5, v0  }
0x91: {  	v4 =	vld.idx.msk [tilespmem:v4+s4+$0x0], $0xffff;
	v3 =	vadd.f32 v16, v42  }
0x92: {  	v43 =	vld.idx.msk [tilespmem:v19+s4+$0x0], $0xffff;
	v0 =	vadd.f32 v1, v0  }
0x93: {  	v45 =	vld.idx.msk [tilespmem:v6+s4+$0x0], $0xffff;
	v44 =	vadd.f32 v21, v3  }
0x94: {  	v0 =	vadd.f32 v2, v0  }
0x95: {  	v1 =	vadd.f32 v22, v44  }
0x96: {  	v0 =	vadd.f32 v4, v0  }
0x97: {  	v1 =	vadd.f32 v43, v1  }
0x98: {  	[tilespmem:s7+$0x0] =	vst v25;
	s23 =	sadd.s32 $0x10, s7;
	v0 =	vadd.f32 v45, v0  }
0x99: {  	s4 =	sadd.s32 $0x10, s23;
	[tilespmem:s23+$0x0] =	vst v1  }
0x9a: {  	s24 =	simm.s32 $0x4100;
	s25 =	simm.s32 $0x3;
	[tilespmem:s4+$0x0] =	vst v0  }
0x9b: {  	[spmem:s5] =	stream.linear.scatter [tilespmem:s24], [sflag:$0x3], $0x200, $0x38;
	[tilespmem:$0x4720] =	vst v63  }
0x9c: {  	_ =	swait.ge [sflag:s25], $0x200  }
0x9d: {  	[sflag:s25] =	ssyncset.done $0x0  }
0x9e: {  	s26 =	simm.s32 $0x20;
	[sflag:s25] =	ssyncadd.s32 $0xFFFFFE00  }
0x9f: {  	s28 =	simm.s32 $0x200;
	s29 =	simm.s32 $0x4300;
	[bflag:$0x0] =	sbarrier.arrive $0xFFFF  }
0xa0: {  	[tilespmem:s29], [sflag:$0x3] =	stream.strided.gather [spmem:s3], $0x200, s28, s26, $0x38;
	[tilespmem:$0x4720] =	vst v63  }
0xa1: {  	_ =	swait.ge [sflag:s25], $0x200  }
0xa2: {  	[sflag:s25] =	ssyncset.done $0x0  }
0xa3: {  	[sflag:s25] =	ssyncadd.s32 $0xFFFFFE00  }
0xa4: {  	v46 =	vld [tilespmem:$0x4300]  }
0xa5: {  	v47 =	vld [tilespmem:$0x4320]  }
0xa6: {  	v48 =	vld [tilespmem:$0x4340]  }
0xa7: {  	v49 =	vld [tilespmem:$0x4360]  }
0xa8: {  	v50 =	vld [tilespmem:$0x4380]  }
0xa9: {  	v51 =	vld [tilespmem:$0x43A0]  }
0xaa: {  	v52 =	vld [tilespmem:$0x43C0]  }
0xab: {  	v7 =	vld [tilespmem:$0x43E0]  }
0xac: {  	v53 =	vld [tilespmem:$0x4400]  }
0xad: {  	v9 =	vld [tilespmem:$0x4420]  }
0xae: {  	v54 =	vld [tilespmem:$0x4440]  }
0xaf: {  	v11 =	vld [tilespmem:$0x4460]  }
0xb0: {  	v12 =	vld [tilespmem:$0x4480]  }
0xb1: {  	v55 =	vld [tilespmem:$0x44A0]  }
0xb2: {  	v56 =	vld [tilespmem:$0x44C0]  }
0xb3: {  	v15 =	vld [tilespmem:$0x44E0]  }
0xb4: {  	v57 =	vld [tilespmem:$0x4310]  }
0xb5: {  	v58 =	vld [tilespmem:$0x4330]  }
0xb6: {  	v59 =	vld [tilespmem:$0x4350]  }
0xb7: {  	v60 =	vld [tilespmem:$0x4370]  }
0xb8: {  	v61 =	vld [tilespmem:$0x4390]  }
0xb9: {  	v62 =	vld [tilespmem:$0x43B0]  }
0xba: {  	v63 =	vld [tilespmem:$0x43D0]  }
0xbb: {  	v32 =	vld [tilespmem:$0x43F0]  }
0xbc: {  	v33 =	vld [tilespmem:$0x4410]  }
0xbd: {  	v34 =	vld [tilespmem:$0x4430]  }
0xbe: {  	v35 =	vld [tilespmem:$0x4450]  }
0xbf: {  	v36 =	vld [tilespmem:$0x4470]  }
0xc0: {  	v37 =	vld [tilespmem:$0x4490]  }
0xc1: {  	v38 =	vld [tilespmem:$0x44B0];
	v0 =	vadd.f32 v47, v46;
	v39 =	vadd.f32 v49, v48  }
0xc2: {  	v40 =	vld [tilespmem:$0x44D0];
	v41 =	vadd.f32 v51, v50;
	v42 =	vadd.f32 v7, v52  }
0xc3: {  	v43 =	vld [tilespmem:$0x44F0];
	v44 =	vadd.f32 v9, v53;
	v45 =	vadd.f32 v11, v54  }
0xc4: {  	v46 =	vadd.f32 v55, v12;
	v47 =	vadd.f32 v15, v56  }
0xc5: {  	v48 =	vadd.f32 v58, v57;
	v49 =	vadd.f32 v60, v59  }
0xc6: {  	v50 =	vadd.f32 v62, v61;
	v51 =	vadd.f32 v32, v63  }
0xc7: {  	v52 =	vadd.f32 v34, v33;
	v53 =	vadd.f32 v36, v35  }
0xc8: {  	v54 =	vadd.f32 v38, v37;
	v2 =	vadd.f32 v43, v40  }
0xc9: {  	v0 =	vadd.f32 v39, v0;
	v55 =	vadd.f32 v42, v41  }
0xca: {  	v56 =	vadd.f32 v45, v44;
	v57 =	vadd.f32 v47, v46  }
0xcb: {  	v58 =	vadd.f32 v49, v48;
	v59 =	vadd.f32 v51, v50  }
0xcc: {  	v60 =	vadd.f32 v53, v52;
	v2 =	vadd.f32 v2, v54  }
0xcd: {  	v0 =	vadd.f32 v55, v0;
	v61 =	vadd.f32 v57, v56  }
0xce: {  	v62 =	vadd.f32 v59, v58;
	v2 =	vadd.f32 v2, v60  }
0xcf: {  	v0 =	vadd.f32 v61, v0  }
0xd0: {  	v63 =	vadd.f32 v2, v62  }
0xd1: {  	[tilespmem:$0x4500] =	vst v0  }
0xd2: {  	s30 =	simm.s32 $0x0;
	s31 =	simm.s32 $0x4500;
	[tilespmem:$0x4510] =	vst v63  }
0xd3: {  	[hbm4b:s2+s30] =	stream.linear.scatter [tilespmem:s31], [sflag:$0x3], $0x20, $0x38;
	[tilespmem:$0x4720] =	vst v63  }
0xd4: {  	_ =	swait.ge [sflag:s25], $0x20  }
0xd5: {  	[sflag:s25] =	ssyncset.done $0x0  }
0xd6: {  	[sflag:s25] =	ssyncadd.s32 $0xFFFFFFE0  }
0xd7: {  	_ =	sfence.sel $0x180000  }
0xd8: {  	[bflag:$0x0] =	sbarrier.arrive $0xFFFF  }
0xd9: {  	p0 =	sne.s32 s0, $0x0;
	_ =	strace $0x90000047  }
0xda: {  	s0 =	sadd.s32 @!p0 $0x100000, s1;
	[bflag:$0x2] =	sbarrier.arrive $0xFFFF  }
0xdb: {  	[sflag:s0] =	ssyncadd.tile.s32 @!p0 $0x1;
	_ =	shalt  }
.Lfunc_end2:
_tile_overlayer_lowered:
.L_overlay_start_2:
0xdc: {  	(tag) =	ssettag $0x2  }
0xdd: {  	s0 =	rddreg [dreg:$0x0];
	s2 =	stileid.u32  }
0xde: {  	s1 =	rddreg [dreg:$0x1];
	p0 =	sne.s32 s2, $0x0  }
0xdf: {  	s3 =	rddreg [dreg:$0x2];
	[bflag:$0x3] =	sbarrier.arrive $0xFFFF;
	s2 =	simm.s32 @!p0 $0x1C03  }
0xe0: {  	[timem:s3], [sflag:s2] =	dma.local @!p0 [hbm:s0], s1  }
0xe1: {  	s0 =	simm.s32 @!p0 $0x3  }
0xe2: {  	_ =	swait.ge @!p0 [sflag:s0], s1  }
0xe3: {  	s1 =	ssub.s32 @!p0 $0x0, s1;
	[sflag:s0] =	ssyncset.done @!p0 $0x0  }
0xe4: {  	[sflag:s0] =	ssyncadd.s32 @!p0 s1  }
0xe5: {  	[bflag:$0x3] =	sbarrier.arrive $0xFFFF  }
0xe6: {  	_ =	shalt  }

</sc_bundles>
